<compile_context>
chip_gen: v7x
topology: tpu7x:2x2x1
jax: 0.10.2.dev20260603
libtpu: 0.0.44.dev20260713+nightly
codegen_flags: <defaults>
</compile_context>

<pallas_src>
import functools

import jax
import jax.numpy as jnp
from jax import lax
from jax.experimental import pallas as pl
from jax.experimental.pallas import tpu as pltpu
from jax.experimental.pallas import tpu_sc as plsc

INPUT_SIZE = 1000000
OUTPUT_SIZE = 32
BATCH = 16384
HIST = 50

NC = 2
NS = 16
NW = NC * NS
CT_PER_W = 4
HL = 5
N_HC = HIST // HL
N_GROUPS = CT_PER_W * N_HC
LANES = 16


def _gather_kernel(table_hbm, idx_hbm, out_hbm, idx_v, bufa, bufb,
                   stga, stgb, gsa, gsb, wsa, wsb):
    wid = lax.axis_index("s") * NC + lax.axis_index("c")

    pltpu.sync_copy(idx_hbm.at[wid], idx_v)

    iota = lax.iota(jnp.int32, LANES)
    rows = [g * LANES + iota for g in range(8)]
    zeros = jnp.zeros((LANES,), jnp.int32)

    def fire(i, buf, sem):
        ct = i // N_HC
        hc = i - ct * N_HC
        for u in range(HL):
            pltpu.make_async_copy(
                table_hbm.at[idx_v.at[ct, hc, u]],
                buf.at[pl.ds(u * 128, 128), :], sem).start()

    def wait_g(buf, sem):
        pltpu.make_async_copy(table_hbm.at[pl.ds(0, HL * 128)],
                              buf, sem).wait()

    def wait_w(stg, sem):
        pltpu.make_async_copy(stg, out_hbm.at[pl.ds(0, HL), :, 0, :, :],
                              sem).wait()

    def extract(buf, stg):
        def unit(u, carry):
            ub = u * 128
            urows = [ub + rows[g] for g in range(8)]
            u_vec = zeros + u

            @plsc.parallel_loop(0, OUTPUT_SIZE, 1, unroll=4)
            def fbody(f):
                rot = (iota + f) & (OUTPUT_SIZE - 1)
                rhi = rot >> 3
                rlo = rot & 7
                for g in range(8):
                    v = plsc.load_gather(buf, [urows[g], rot])
                    plsc.store_scatter(stg, [u_vec, rhi, rlo, rows[g]], v)

            return carry
        lax.fori_loop(0, HL, unit, 0, unroll=False)

    def put(i, stg, sem):
        ct = i // N_HC
        hc = i - ct * N_HC
        pltpu.make_async_copy(
            stg,
            out_hbm.at[pl.ds(hc * HL, HL), :, wid * CT_PER_W + ct, :, :],
            sem,
        ).start()

    fire(0, bufa, gsa)
    fire(1, bufb, gsb)

    def body(i, carry):
        g0 = 2 * i
        wait_g(bufa, gsa)

        @pl.when(i > 0)
        def _():
            wait_w(stga, wsa)

        extract(bufa, stga)

        @pl.when(g0 + 2 < N_GROUPS)
        def _():
            fire(g0 + 2, bufa, gsa)

        put(g0, stga, wsa)

        wait_g(bufb, gsb)

        @pl.when(i > 0)
        def _():
            wait_w(stgb, wsb)

        extract(bufb, stgb)

        @pl.when(g0 + 3 < N_GROUPS)
        def _():
            fire(g0 + 3, bufb, gsb)

        put(g0 + 1, stgb, wsb)
        return carry

    lax.fori_loop(0, N_GROUPS // 2, body, 0, unroll=False)
    wait_w(stga, wsa)
    wait_w(stgb, wsb)


N_FULL_TILES = INPUT_SIZE // 128
TAIL_COLS = INPUT_SIZE - N_FULL_TILES * 128


def _transpose_kernel(wt_hbm, out_hbm, ina, inb, sta, stb, isa, isb, osa, osb):
    wid = lax.axis_index("s") * NC + lax.axis_index("c")

    iota = lax.iota(jnp.int32, LANES)
    zeros = jnp.zeros((LANES,), jnp.int32)
    cvecs = [c16 * LANES + iota for c16 in range(8)]
    crows = [c16 * 4 + (iota >> 2) for c16 in range(8)]
    ccol_base = (iota & 3) * 32

    def fire_in(t, buf, sem):
        pltpu.make_async_copy(
            wt_hbm.at[:, pl.ds(t * 128, 128)], buf, sem).start()

    def wait_in(buf, sem):
        pltpu.make_async_copy(wt_hbm.at[:, pl.ds(0, 128)], buf, sem).wait()

    def transpose(buf, stg, ncols):
        del ncols

        @plsc.parallel_loop(0, OUTPUT_SIZE, 1, unroll=2)
        def rbody(r):
            rrv = (zeros + r + iota) & (OUTPUT_SIZE - 1)
            for c16 in range(8):
                v = plsc.load_gather(buf, [rrv, cvecs[c16]])
                plsc.store_scatter(stg, [crows[c16], ccol_base + rrv], v)

    def fire_out(t, stg, sem):
        pltpu.make_async_copy(
            stg, out_hbm.at[pl.ds(t * 32, 32), :], sem).start()

    def wait_out(stg, sem):
        pltpu.make_async_copy(stg, out_hbm.at[pl.ds(0, 32), :], sem).wait()

    fire_in(wid, ina, isa)
    fire_in(NW + wid, inb, isb)

    def body(i, carry):
        ta = (2 * i) * NW + wid
        tb = ta + NW

        @pl.when(ta < N_FULL_TILES)
        def _():
            @pl.when(i > 0)
            def _():
                wait_out(sta, osa)
            wait_in(ina, isa)
            transpose(ina, sta, 128)

            @pl.when(ta + 2 * NW < N_FULL_TILES)
            def _():
                fire_in(ta + 2 * NW, ina, isa)
            fire_out(ta, sta, osa)

        @pl.when(tb < N_FULL_TILES)
        def _():
            @pl.when(i > 0)
            def _():
                wait_out(stb, osb)
            wait_in(inb, isb)
            transpose(inb, stb, 128)

            @pl.when(tb + 2 * NW < N_FULL_TILES)
            def _():
                fire_in(tb + 2 * NW, inb, isb)
            fire_out(tb, stb, osb)

        return carry

    n_pairs = N_FULL_TILES // (2 * NW) + 1
    lax.fori_loop(0, n_pairs, body, 0, unroll=False)
    wait_out(sta, osa)
    wait_out(stb, osb)


@jax.jit
def _format_table(weights):
    wt = weights.T
    mesh = plsc.VectorSubcoreMesh(core_axis_name="c", subcore_axis_name="s")
    run = functools.partial(
        pl.kernel,
        mesh=mesh,
        out_type=jax.ShapeDtypeStruct((INPUT_SIZE // 4, 128), jnp.float32),
        scratch_types=[
            pltpu.VMEM((OUTPUT_SIZE, 128), jnp.float32),
            pltpu.VMEM((OUTPUT_SIZE, 128), jnp.float32),
            pltpu.VMEM((OUTPUT_SIZE, 128), jnp.float32),
            pltpu.VMEM((OUTPUT_SIZE, 128), jnp.float32),
            pltpu.SemaphoreType.DMA,
            pltpu.SemaphoreType.DMA,
            pltpu.SemaphoreType.DMA,
            pltpu.SemaphoreType.DMA,
        ],
        compiler_params=pltpu.CompilerParams(
            use_tc_tiling_on_sc=True, needs_layout_passes=False),
    )(_transpose_kernel)
    raw = run(wt)
    tail = weights[N_FULL_TILES * 128:, :].reshape(TAIL_COLS // 4, 128)
    raw = lax.dynamic_update_slice(raw, tail, (N_FULL_TILES * 32, 0))
    return raw.reshape(INPUT_SIZE, OUTPUT_SIZE)


@jax.jit
def _embedded(idx_arranged, weights):
    mesh = plsc.VectorSubcoreMesh(core_axis_name="c", subcore_axis_name="s")
    run = functools.partial(
        pl.kernel,
        mesh=mesh,
        out_type=jax.ShapeDtypeStruct(
            (HIST, OUTPUT_SIZE // 8, BATCH // 128, 8, 128), jnp.float32),
        scratch_types=[
            pltpu.VMEM((CT_PER_W, N_HC, HL, 128), jnp.int32),
            pltpu.VMEM((HL * 128, OUTPUT_SIZE), jnp.float32),
            pltpu.VMEM((HL * 128, OUTPUT_SIZE), jnp.float32),
            pltpu.VMEM((HL, OUTPUT_SIZE // 8, 8, 128), jnp.float32),
            pltpu.VMEM((HL, OUTPUT_SIZE // 8, 8, 128), jnp.float32),
            pltpu.SemaphoreType.DMA,
            pltpu.SemaphoreType.DMA,
            pltpu.SemaphoreType.DMA,
            pltpu.SemaphoreType.DMA,
        ],
        compiler_params=pltpu.CompilerParams(
            use_tc_tiling_on_sc=False, needs_layout_passes=False),
    )(_gather_kernel)
    return run(weights, idx_arranged)


def kernel(X, weights):
    idx = X.astype(jnp.int32).reshape(NW, CT_PER_W, 128, N_HC, HL)
    idx = idx.transpose(0, 1, 3, 4, 2)
    tbl = _format_table(weights)
    phys = _embedded(idx, tbl)
    out = phys.transpose(2, 4, 0, 1, 3)
    return out.reshape(BATCH, HIST, OUTPUT_SIZE)

# --- scband reference (transcript-rebuilt; emitter-appended) ---
"""Pipeline reference for scband-embedded-79207786873302 (READ-ONLY COPY).

The authoritative reference and input builder live on the scoring server;
editing this copy changes nothing except your own understanding.
"""

import jax, jax.numpy as jnp
import numpy as np

INPUT_SIZE = 1000000
OUTPUT_SIZE = 32
BATCH = 16384
HIST = 50

def setup_inputs(seed: int = 0) -> dict:
    key = jax.random.key(seed)
    k_idx, k_w = jax.random.split(key)
    X = jax.random.randint(k_idx, (BATCH, HIST), 0, INPUT_SIZE, dtype=jnp.int64 if jax.config.jax_enable_x64 else jnp.int32)
    # glorot_normal init for the embedding table
    stddev = np.sqrt(2.0 / (INPUT_SIZE + OUTPUT_SIZE))
    weights = jax.random.normal(k_w, (INPUT_SIZE, OUTPUT_SIZE), dtype=jnp.float32) * stddev
    return {"X": X, "weights": weights}

def reference(X, weights):
    # tf.nn.embedding_lookup(weights, X) -> gather rows of the table
    A = jnp.take(weights, X, axis=0)
    return A

if __name__ == "__main__":
    import jax
    _d = setup_inputs()
    print(jax.jit(kernel)(*tuple(_d.values())))

</pallas_src>

<mosaic_0001>
#map = affine_map<(d0, d1) -> (0, 0)>
module attributes {stable_mosaic.version = 14 : i64} {
  func.func @_transpose_kernel(%arg0: i32, %arg1: i32, %arg2: memref<32x1000000xf32, #tpu.memory_space<hbm>>, %arg3: memref<250000x128xf32, #tpu.memory_space<hbm>>, %arg4: memref<32x128xf32, #tpu.memory_space<vmem>>, %arg5: memref<32x128xf32, #tpu.memory_space<vmem>>, %arg6: memref<32x128xf32, #tpu.memory_space<vmem>>, %arg7: memref<32x128xf32, #tpu.memory_space<vmem>>, %arg8: memref<!tpu.dma_semaphore, #tpu.memory_space<semaphore_mem>>, %arg9: memref<!tpu.dma_semaphore, #tpu.memory_space<semaphore_mem>>, %arg10: memref<!tpu.dma_semaphore, #tpu.memory_space<semaphore_mem>>, %arg11: memref<!tpu.dma_semaphore, #tpu.memory_space<semaphore_mem>>) attributes {dimension_semantics = [#tpu.dimension_semantics<core_parallel>, #tpu.dimension_semantics<subcore_parallel>], iteration_bounds = array<i64: 2, 16>, scalar_prefetch = 0 : i64, scratch_operands = 8 : i64, tpu.core_type = #tpu.core_type<sc_vector_subcore>, window_params = [{transform_indices = #map}, {transform_indices = #map}]} {
    %mul3A = arith.constant 2 : i32
    %mul3A_0 = arith.muli %arg1, %mul3A : i32
    %add3A = arith.addi %mul3A_0, %arg0 : i32
    %iota3A = tpu.iota {dimensions = array<i32: 0>} : vector<16xi32>
    %broadcast_in_dim3A = arith.constant 0 : i32
    %broadcast_in_dim3A_1 = vector.broadcast %broadcast_in_dim3A : i32 to vector<16xi32>
    %add3A_2 = arith.constant 0 : i32
    %add3A_3 = vector.broadcast %add3A_2 : i32 to vector<16xi32>
    %add3A_4 = arith.addi %add3A_3, %iota3A : vector<16xi32>
    %add3A_5 = arith.constant 16 : i32
    %add3A_6 = vector.broadcast %add3A_5 : i32 to vector<16xi32>
    %add3A_7 = arith.addi %add3A_6, %iota3A : vector<16xi32>
    %add3A_8 = arith.constant 32 : i32
    %add3A_9 = vector.broadcast %add3A_8 : i32 to vector<16xi32>
    %add3A_10 = arith.addi %add3A_9, %iota3A : vector<16xi32>
    %add3A_11 = arith.constant 48 : i32
    %add3A_12 = vector.broadcast %add3A_11 : i32 to vector<16xi32>
    %add3A_13 = arith.addi %add3A_12, %iota3A : vector<16xi32>
    %add3A_14 = arith.constant 64 : i32
    %add3A_15 = vector.broadcast %add3A_14 : i32 to vector<16xi32>
    %add3A_16 = arith.addi %add3A_15, %iota3A : vector<16xi32>
    %add3A_17 = arith.constant 80 : i32
    %add3A_18 = vector.broadcast %add3A_17 : i32 to vector<16xi32>
    %add3A_19 = arith.addi %add3A_18, %iota3A : vector<16xi32>
    %add3A_20 = arith.constant 96 : i32
    %add3A_21 = vector.broadcast %add3A_20 : i32 to vector<16xi32>
    %add3A_22 = arith.addi %add3A_21, %iota3A : vector<16xi32>
    %add3A_23 = arith.constant 112 : i32
    %add3A_24 = vector.broadcast %add3A_23 : i32 to vector<16xi32>
    %add3A_25 = arith.addi %add3A_24, %iota3A : vector<16xi32>
    %shift_right_arithmetic3A = arith.constant 2 : i32
    %shift_right_arithmetic3A_26 = vector.broadcast %shift_right_arithmetic3A : i32 to vector<16xi32>
    %shift_right_arithmetic3A_27 = arith.shrsi %iota3A, %shift_right_arithmetic3A_26 : vector<16xi32>
    %add3A_28 = arith.constant 0 : i32
    %add3A_29 = vector.broadcast %add3A_28 : i32 to vector<16xi32>
    %add3A_30 = arith.addi %add3A_29, %shift_right_arithmetic3A_27 : vector<16xi32>
    %shift_right_arithmetic3A_31 = arith.constant 2 : i32
    %shift_right_arithmetic3A_32 = vector.broadcast %shift_right_arithmetic3A_31 : i32 to vector<16xi32>
    %shift_right_arithmetic3A_33 = arith.shrsi %iota3A, %shift_right_arithmetic3A_32 : vector<16xi32>
    %add3A_34 = arith.constant 4 : i32
    %add3A_35 = vector.broadcast %add3A_34 : i32 to vector<16xi32>
    %add3A_36 = arith.addi %add3A_35, %shift_right_arithmetic3A_33 : vector<16xi32>
    %shift_right_arithmetic3A_37 = arith.constant 2 : i32
    %shift_right_arithmetic3A_38 = vector.broadcast %shift_right_arithmetic3A_37 : i32 to vector<16xi32>
    %shift_right_arithmetic3A_39 = arith.shrsi %iota3A, %shift_right_arithmetic3A_38 : vector<16xi32>
    %add3A_40 = arith.constant 8 : i32
    %add3A_41 = vector.broadcast %add3A_40 : i32 to vector<16xi32>
    %add3A_42 = arith.addi %add3A_41, %shift_right_arithmetic3A_39 : vector<16xi32>
    %shift_right_arithmetic3A_43 = arith.constant 2 : i32
    %shift_right_arithmetic3A_44 = vector.broadcast %shift_right_arithmetic3A_43 : i32 to vector<16xi32>
    %shift_right_arithmetic3A_45 = arith.shrsi %iota3A, %shift_right_arithmetic3A_44 : vector<16xi32>
    %add3A_46 = arith.constant 12 : i32
    %add3A_47 = vector.broadcast %add3A_46 : i32 to vector<16xi32>
    %add3A_48 = arith.addi %add3A_47, %shift_right_arithmetic3A_45 : vector<16xi32>
    %shift_right_arithmetic3A_49 = arith.constant 2 : i32
    %shift_right_arithmetic3A_50 = vector.broadcast %shift_right_arithmetic3A_49 : i32 to vector<16xi32>
    %shift_right_arithmetic3A_51 = arith.shrsi %iota3A, %shift_right_arithmetic3A_50 : vector<16xi32>
    %add3A_52 = arith.constant 16 : i32
    %add3A_53 = vector.broadcast %add3A_52 : i32 to vector<16xi32>
    %add3A_54 = arith.addi %add3A_53, %shift_right_arithmetic3A_51 : vector<16xi32>
    %shift_right_arithmetic3A_55 = arith.constant 2 : i32
    %shift_right_arithmetic3A_56 = vector.broadcast %shift_right_arithmetic3A_55 : i32 to vector<16xi32>
    %shift_right_arithmetic3A_57 = arith.shrsi %iota3A, %shift_right_arithmetic3A_56 : vector<16xi32>
    %add3A_58 = arith.constant 20 : i32
    %add3A_59 = vector.broadcast %add3A_58 : i32 to vector<16xi32>
    %add3A_60 = arith.addi %add3A_59, %shift_right_arithmetic3A_57 : vector<16xi32>
    %shift_right_arithmetic3A_61 = arith.constant 2 : i32
    %shift_right_arithmetic3A_62 = vector.broadcast %shift_right_arithmetic3A_61 : i32 to vector<16xi32>
    %shift_right_arithmetic3A_63 = arith.shrsi %iota3A, %shift_right_arithmetic3A_62 : vector<16xi32>
    %add3A_64 = arith.constant 24 : i32
    %add3A_65 = vector.broadcast %add3A_64 : i32 to vector<16xi32>
    %add3A_66 = arith.addi %add3A_65, %shift_right_arithmetic3A_63 : vector<16xi32>
    %shift_right_arithmetic3A_67 = arith.constant 2 : i32
    %shift_right_arithmetic3A_68 = vector.broadcast %shift_right_arithmetic3A_67 : i32 to vector<16xi32>
    %shift_right_arithmetic3A_69 = arith.shrsi %iota3A, %shift_right_arithmetic3A_68 : vector<16xi32>
    %add3A_70 = arith.constant 28 : i32
    %add3A_71 = vector.broadcast %add3A_70 : i32 to vector<16xi32>
    %add3A_72 = arith.addi %add3A_71, %shift_right_arithmetic3A_69 : vector<16xi32>
    %and3A = arith.constant 3 : i32
    %and3A_73 = vector.broadcast %and3A : i32 to vector<16xi32>
    %and3A_74 = arith.andi %iota3A, %and3A_73 : vector<16xi32>
    %mul3A_75 = arith.constant 32 : i32
    %mul3A_76 = vector.broadcast %mul3A_75 : i32 to vector<16xi32>
    %mul3A_77 = arith.muli %and3A_74, %mul3A_76 : vector<16xi32>
    %mul3A_78 = arith.constant 128 : i32
    %mul3A_79 = arith.muli %add3A, %mul3A_78 : i32
    %dma_start3A = arith.constant 0 : i32
    %dma_start3A_80 = tpu.memref_slice %arg2[%dma_start3A, %mul3A_79] : memref<32x1000000xf32, #tpu.memory_space<hbm>> -> memref<32x128xf32, #tpu.memory_space<hbm>>
    %dma_start3A_81 = arith.constant 0 : i32
    %dma_start3A_82 = tpu.memref_slice %arg2[%dma_start3A_81, %mul3A_79] : memref<32x1000000xf32, #tpu.memory_space<hbm>> -> memref<32x128xf32, #tpu.memory_space<hbm>>
    tpu.enqueue_dma source(%dma_start3A_82 : memref<32x128xf32, #tpu.memory_space<hbm>>) target(%arg4 : memref<32x128xf32, #tpu.memory_space<vmem>>) target_semaphore(%arg8 : memref<!tpu.dma_semaphore, #tpu.memory_space<semaphore_mem>>)
    %add3A_83 = arith.constant 32 : i32
    %add3A_84 = arith.addi %add3A_83, %add3A : i32
    %mul3A_85 = arith.constant 128 : i32
    %mul3A_86 = arith.muli %add3A_84, %mul3A_85 : i32
    %dma_start3A_87 = arith.constant 0 : i32
    %dma_start3A_88 = tpu.memref_slice %arg2[%dma_start3A_87, %mul3A_86] : memref<32x1000000xf32, #tpu.memory_space<hbm>> -> memref<32x128xf32, #tpu.memory_space<hbm>>
    %dma_start3A_89 = arith.constant 0 : i32
    %dma_start3A_90 = tpu.memref_slice %arg2[%dma_start3A_89, %mul3A_86] : memref<32x1000000xf32, #tpu.memory_space<hbm>> -> memref<32x128xf32, #tpu.memory_space<hbm>>
    tpu.enqueue_dma source(%dma_start3A_90 : memref<32x128xf32, #tpu.memory_space<hbm>>) target(%arg5 : memref<32x128xf32, #tpu.memory_space<vmem>>) target_semaphore(%arg9 : memref<!tpu.dma_semaphore, #tpu.memory_space<semaphore_mem>>)
    %scan3A = arith.constant 0 : i32
    %scan3A_91 = arith.constant 0 : i32
    %scan3A_92 = arith.constant 123 : i32
    %scan3A_93 = arith.addi %scan3A_91, %scan3A_92 : i32
    %scan3A_94 = arith.constant 1 : i32
    scf.for %scan3A_107 = %scan3A_91 to %scan3A_93 step %scan3A_94  : i32 {
      %mul3A_108 = arith.constant 2 : i32
      %mul3A_109 = arith.muli %mul3A_108, %scan3A_107 : i32
      %mul3A_110 = arith.constant 32 : i32
      %mul3A_111 = arith.muli %mul3A_109, %mul3A_110 : i32
      %add3A_112 = arith.addi %mul3A_111, %add3A : i32
      %add3A_113 = arith.constant 32 : i32
      %add3A_114 = arith.addi %add3A_112, %add3A_113 : i32
      %lt3A = arith.constant 7812 : i32
      %lt3A_115 = arith.cmpi slt, %add3A_112, %lt3A : i32
      %convert_element_type3A = arith.extui %lt3A_115 : i1 to i32
      %cond3A = arith.constant 0 : i32
      %cond3A_116 = arith.cmpi ne, %convert_element_type3A, %cond3A : i32
      scf.if %cond3A_116 {
        %gt3A = arith.constant 0 : i32
        %gt3A_122 = arith.cmpi sgt, %scan3A_107, %gt3A : i32
        %convert_element_type3A_123 = arith.extui %gt3A_122 : i1 to i32
        %cond3A_124 = arith.constant 0 : i32
        %cond3A_125 = arith.cmpi ne, %convert_element_type3A_123, %cond3A_124 : i32
        scf.if %cond3A_125 {
          %dma_wait3A_147 = arith.constant 0 : i32
          %dma_wait3A_148 = arith.constant 0 : i32
          %dma_wait3A_149 = tpu.memref_slice %arg3[%dma_wait3A_147, %dma_wait3A_148] : memref<250000x128xf32, #tpu.memory_space<hbm>> -> memref<32x128xf32, #tpu.memory_space<hbm>>
          %dma_wait3A_150 = arith.constant 0 : i32
          %dma_wait3A_151 = arith.constant 0 : i32
          %dma_wait3A_152 = tpu.memref_slice %arg3[%dma_wait3A_150, %dma_wait3A_151] : memref<250000x128xf32, #tpu.memory_space<hbm>> -> memref<32x128xf32, #tpu.memory_space<hbm>>
          tpu.wait_dma2 semaphore(%arg10 : memref<!tpu.dma_semaphore, #tpu.memory_space<semaphore_mem>>) src(%arg6 : memref<32x128xf32, #tpu.memory_space<vmem>>) dst(%dma_wait3A_152 : memref<32x128xf32, #tpu.memory_space<hbm>>)
        } else {
        }
        %dma_wait3A_126 = arith.constant 0 : i32
        %dma_wait3A_127 = arith.constant 0 : i32
        %dma_wait3A_128 = tpu.memref_slice %arg2[%dma_wait3A_126, %dma_wait3A_127] : memref<32x1000000xf32, #tpu.memory_space<hbm>> -> memref<32x128xf32, #tpu.memory_space<hbm>>
        %dma_wait3A_129 = arith.constant 0 : i32
        %dma_wait3A_130 = arith.constant 0 : i32
        %dma_wait3A_131 = tpu.memref_slice %arg2[%dma_wait3A_129, %dma_wait3A_130] : memref<32x1000000xf32, #tpu.memory_space<hbm>> -> memref<32x128xf32, #tpu.memory_space<hbm>>
        tpu.wait_dma2 semaphore(%arg8 : memref<!tpu.dma_semaphore, #tpu.memory_space<semaphore_mem>>) src(%dma_wait3A_131 : memref<32x128xf32, #tpu.memory_space<hbm>>) dst(%arg4 : memref<32x128xf32, #tpu.memory_space<vmem>>)
        %parallel_loop3A = arith.constant 0 : i32
        %parallel_loop3A_132 = arith.constant 32 : i32
        %parallel_loop3A_133 = arith.constant 1 : i32
        scf.for %parallel_loop3A_147 = %parallel_loop3A to %parallel_loop3A_132 step %parallel_loop3A_133  : i32 {
          %parallel_loop3A_148 = vector.broadcast %parallel_loop3A_147 : i32 to vector<16xi32>
          %parallel_loop3A_149 = arith.addi %broadcast_in_dim3A_1, %parallel_loop3A_148 : vector<16xi32>
          %parallel_loop3A_150 = arith.addi %parallel_loop3A_149, %iota3A : vector<16xi32>
          %parallel_loop3A_151 = arith.constant 31 : i32
          %parallel_loop3A_152 = vector.broadcast %parallel_loop3A_151 : i32 to vector<16xi32>
          %parallel_loop3A_153 = arith.andi %parallel_loop3A_150, %parallel_loop3A_152 : vector<16xi32>
          %parallel_loop3A_154 = tpu.vector_load_idx %arg4[%parallel_loop3A_153, %add3A_4] : memref<32x128xf32, #tpu.memory_space<vmem>>[vector<16xi32>, vector<16xi32>], vector<16xf32>,
          %parallel_loop3A_155 = arith.addi %mul3A_77, %parallel_loop3A_153 : vector<16xi32>
          tpu.vector_store_idx %arg6[%add3A_30, %parallel_loop3A_155], %parallel_loop3A_154 : memref<32x128xf32, #tpu.memory_space<vmem>>[vector<16xi32>, vector<16xi32>], vector<16xf32>,
          %parallel_loop3A_156 = tpu.vector_load_idx %arg4[%parallel_loop3A_153, %add3A_7] : memref<32x128xf32, #tpu.memory_space<vmem>>[vector<16xi32>, vector<16xi32>], vector<16xf32>,
          %parallel_loop3A_157 = arith.addi %mul3A_77, %parallel_loop3A_153 : vector<16xi32>
          tpu.vector_store_idx %arg6[%add3A_36, %parallel_loop3A_157], %parallel_loop3A_156 : memref<32x128xf32, #tpu.memory_space<vmem>>[vector<16xi32>, vector<16xi32>], vector<16xf32>,
          %parallel_loop3A_158 = tpu.vector_load_idx %arg4[%parallel_loop3A_153, %add3A_10] : memref<32x128xf32, #tpu.memory_space<vmem>>[vector<16xi32>, vector<16xi32>], vector<16xf32>,
          %parallel_loop3A_159 = arith.addi %mul3A_77, %parallel_loop3A_153 : vector<16xi32>
          tpu.vector_store_idx %arg6[%add3A_42, %parallel_loop3A_159], %parallel_loop3A_158 : memref<32x128xf32, #tpu.memory_space<vmem>>[vector<16xi32>, vector<16xi32>], vector<16xf32>,
          %parallel_loop3A_160 = tpu.vector_load_idx %arg4[%parallel_loop3A_153, %add3A_13] : memref<32x128xf32, #tpu.memory_space<vmem>>[vector<16xi32>, vector<16xi32>], vector<16xf32>,
          %parallel_loop3A_161 = arith.addi %mul3A_77, %parallel_loop3A_153 : vector<16xi32>
          tpu.vector_store_idx %arg6[%add3A_48, %parallel_loop3A_161], %parallel_loop3A_160 : memref<32x128xf32, #tpu.memory_space<vmem>>[vector<16xi32>, vector<16xi32>], vector<16xf32>,
          %parallel_loop3A_162 = tpu.vector_load_idx %arg4[%parallel_loop3A_153, %add3A_16] : memref<32x128xf32, #tpu.memory_space<vmem>>[vector<16xi32>, vector<16xi32>], vector<16xf32>,
          %parallel_loop3A_163 = arith.addi %mul3A_77, %parallel_loop3A_153 : vector<16xi32>
          tpu.vector_store_idx %arg6[%add3A_54, %parallel_loop3A_163], %parallel_loop3A_162 : memref<32x128xf32, #tpu.memory_space<vmem>>[vector<16xi32>, vector<16xi32>], vector<16xf32>,
          %parallel_loop3A_164 = tpu.vector_load_idx %arg4[%parallel_loop3A_153, %add3A_19] : memref<32x128xf32, #tpu.memory_space<vmem>>[vector<16xi32>, vector<16xi32>], vector<16xf32>,
          %parallel_loop3A_165 = arith.addi %mul3A_77, %parallel_loop3A_153 : vector<16xi32>
          tpu.vector_store_idx %arg6[%add3A_60, %parallel_loop3A_165], %parallel_loop3A_164 : memref<32x128xf32, #tpu.memory_space<vmem>>[vector<16xi32>, vector<16xi32>], vector<16xf32>,
          %parallel_loop3A_166 = tpu.vector_load_idx %arg4[%parallel_loop3A_153, %add3A_22] : memref<32x128xf32, #tpu.memory_space<vmem>>[vector<16xi32>, vector<16xi32>], vector<16xf32>,
          %parallel_loop3A_167 = arith.addi %mul3A_77, %parallel_loop3A_153 : vector<16xi32>
          tpu.vector_store_idx %arg6[%add3A_66, %parallel_loop3A_167], %parallel_loop3A_166 : memref<32x128xf32, #tpu.memory_space<vmem>>[vector<16xi32>, vector<16xi32>], vector<16xf32>,
          %parallel_loop3A_168 = tpu.vector_load_idx %arg4[%parallel_loop3A_153, %add3A_25] : memref<32x128xf32, #tpu.memory_space<vmem>>[vector<16xi32>, vector<16xi32>], vector<16xf32>,
          %parallel_loop3A_169 = arith.addi %mul3A_77, %parallel_loop3A_153 : vector<16xi32>
          tpu.vector_store_idx %arg6[%add3A_72, %parallel_loop3A_169], %parallel_loop3A_168 : memref<32x128xf32, #tpu.memory_space<vmem>>[vector<16xi32>, vector<16xi32>], vector<16xf32>,
        } {sc.loop_unroll_factor = 2 : i64, sc.parallel_access}
        %add3A_134 = arith.constant 64 : i32
        %add3A_135 = arith.addi %add3A_112, %add3A_134 : i32
        %lt3A_136 = arith.constant 7812 : i32
        %lt3A_137 = arith.cmpi slt, %add3A_135, %lt3A_136 : i32
        %convert_element_type3A_138 = arith.extui %lt3A_137 : i1 to i32
        %cond3A_139 = arith.constant 0 : i32
        %cond3A_140 = arith.cmpi ne, %convert_element_type3A_138, %cond3A_139 : i32
        scf.if %cond3A_140 {
          %add3A_147 = arith.constant 64 : i32
          %add3A_148 = arith.addi %add3A_112, %add3A_147 : i32
          %mul3A_149 = arith.constant 128 : i32
          %mul3A_150 = arith.muli %add3A_148, %mul3A_149 : i32
          %dma_start3A_151 = arith.constant 0 : i32
          %dma_start3A_152 = tpu.memref_slice %arg2[%dma_start3A_151, %mul3A_150] : memref<32x1000000xf32, #tpu.memory_space<hbm>> -> memref<32x128xf32, #tpu.memory_space<hbm>>
          %dma_start3A_153 = arith.constant 0 : i32
          %dma_start3A_154 = tpu.memref_slice %arg2[%dma_start3A_153, %mul3A_150] : memref<32x1000000xf32, #tpu.memory_space<hbm>> -> memref<32x128xf32, #tpu.memory_space<hbm>>
          tpu.enqueue_dma source(%dma_start3A_154 : memref<32x128xf32, #tpu.memory_space<hbm>>) target(%arg4 : memref<32x128xf32, #tpu.memory_space<vmem>>) target_semaphore(%arg8 : memref<!tpu.dma_semaphore, #tpu.memory_space<semaphore_mem>>)
        } else {
        }
        %mul3A_141 = arith.constant 32 : i32
        %mul3A_142 = arith.muli %add3A_112, %mul3A_141 : i32
        %dma_start3A_143 = arith.constant 0 : i32
        %dma_start3A_144 = tpu.memref_slice %arg3[%mul3A_142, %dma_start3A_143] : memref<250000x128xf32, #tpu.memory_space<hbm>> -> memref<32x128xf32, #tpu.memory_space<hbm>>
        %dma_start3A_145 = arith.constant 0 : i32
        %dma_start3A_146 = tpu.memref_slice %arg3[%mul3A_142, %dma_start3A_145] : memref<250000x128xf32, #tpu.memory_space<hbm>> -> memref<32x128xf32, #tpu.memory_space<hbm>>
        tpu.enqueue_dma source(%arg6 : memref<32x128xf32, #tpu.memory_space<vmem>>) target(%dma_start3A_146 : memref<32x128xf32, #tpu.memory_space<hbm>>) target_semaphore(%arg10 : memref<!tpu.dma_semaphore, #tpu.memory_space<semaphore_mem>>)
      } else {
      }
      %lt3A_117 = arith.constant 7812 : i32
      %lt3A_118 = arith.cmpi slt, %add3A_114, %lt3A_117 : i32
      %convert_element_type3A_119 = arith.extui %lt3A_118 : i1 to i32
      %cond3A_120 = arith.constant 0 : i32
      %cond3A_121 = arith.cmpi ne, %convert_element_type3A_119, %cond3A_120 : i32
      scf.if %cond3A_121 {
        %gt3A = arith.constant 0 : i32
        %gt3A_122 = arith.cmpi sgt, %scan3A_107, %gt3A : i32
        %convert_element_type3A_123 = arith.extui %gt3A_122 : i1 to i32
        %cond3A_124 = arith.constant 0 : i32
        %cond3A_125 = arith.cmpi ne, %convert_element_type3A_123, %cond3A_124 : i32
        scf.if %cond3A_125 {
          %dma_wait3A_147 = arith.constant 0 : i32
          %dma_wait3A_148 = arith.constant 0 : i32
          %dma_wait3A_149 = tpu.memref_slice %arg3[%dma_wait3A_147, %dma_wait3A_148] : memref<250000x128xf32, #tpu.memory_space<hbm>> -> memref<32x128xf32, #tpu.memory_space<hbm>>
          %dma_wait3A_150 = arith.constant 0 : i32
          %dma_wait3A_151 = arith.constant 0 : i32
          %dma_wait3A_152 = tpu.memref_slice %arg3[%dma_wait3A_150, %dma_wait3A_151] : memref<250000x128xf32, #tpu.memory_space<hbm>> -> memref<32x128xf32, #tpu.memory_space<hbm>>
          tpu.wait_dma2 semaphore(%arg11 : memref<!tpu.dma_semaphore, #tpu.memory_space<semaphore_mem>>) src(%arg7 : memref<32x128xf32, #tpu.memory_space<vmem>>) dst(%dma_wait3A_152 : memref<32x128xf32, #tpu.memory_space<hbm>>)
        } else {
        }
        %dma_wait3A_126 = arith.constant 0 : i32
        %dma_wait3A_127 = arith.constant 0 : i32
        %dma_wait3A_128 = tpu.memref_slice %arg2[%dma_wait3A_126, %dma_wait3A_127] : memref<32x1000000xf32, #tpu.memory_space<hbm>> -> memref<32x128xf32, #tpu.memory_space<hbm>>
        %dma_wait3A_129 = arith.constant 0 : i32
        %dma_wait3A_130 = arith.constant 0 : i32
        %dma_wait3A_131 = tpu.memref_slice %arg2[%dma_wait3A_129, %dma_wait3A_130] : memref<32x1000000xf32, #tpu.memory_space<hbm>> -> memref<32x128xf32, #tpu.memory_space<hbm>>
        tpu.wait_dma2 semaphore(%arg9 : memref<!tpu.dma_semaphore, #tpu.memory_space<semaphore_mem>>) src(%dma_wait3A_131 : memref<32x128xf32, #tpu.memory_space<hbm>>) dst(%arg5 : memref<32x128xf32, #tpu.memory_space<vmem>>)
        %parallel_loop3A = arith.constant 0 : i32
        %parallel_loop3A_132 = arith.constant 32 : i32
        %parallel_loop3A_133 = arith.constant 1 : i32
        scf.for %parallel_loop3A_147 = %parallel_loop3A to %parallel_loop3A_132 step %parallel_loop3A_133  : i32 {
          %parallel_loop3A_148 = vector.broadcast %parallel_loop3A_147 : i32 to vector<16xi32>
          %parallel_loop3A_149 = arith.addi %broadcast_in_dim3A_1, %parallel_loop3A_148 : vector<16xi32>
          %parallel_loop3A_150 = arith.addi %parallel_loop3A_149, %iota3A : vector<16xi32>
          %parallel_loop3A_151 = arith.constant 31 : i32
          %parallel_loop3A_152 = vector.broadcast %parallel_loop3A_151 : i32 to vector<16xi32>
          %parallel_loop3A_153 = arith.andi %parallel_loop3A_150, %parallel_loop3A_152 : vector<16xi32>
          %parallel_loop3A_154 = tpu.vector_load_idx %arg5[%parallel_loop3A_153, %add3A_4] : memref<32x128xf32, #tpu.memory_space<vmem>>[vector<16xi32>, vector<16xi32>], vector<16xf32>,
          %parallel_loop3A_155 = arith.addi %mul3A_77, %parallel_loop3A_153 : vector<16xi32>
          tpu.vector_store_idx %arg7[%add3A_30, %parallel_loop3A_155], %parallel_loop3A_154 : memref<32x128xf32, #tpu.memory_space<vmem>>[vector<16xi32>, vector<16xi32>], vector<16xf32>,
          %parallel_loop3A_156 = tpu.vector_load_idx %arg5[%parallel_loop3A_153, %add3A_7] : memref<32x128xf32, #tpu.memory_space<vmem>>[vector<16xi32>, vector<16xi32>], vector<16xf32>,
          %parallel_loop3A_157 = arith.addi %mul3A_77, %parallel_loop3A_153 : vector<16xi32>
          tpu.vector_store_idx %arg7[%add3A_36, %parallel_loop3A_157], %parallel_loop3A_156 : memref<32x128xf32, #tpu.memory_space<vmem>>[vector<16xi32>, vector<16xi32>], vector<16xf32>,
          %parallel_loop3A_158 = tpu.vector_load_idx %arg5[%parallel_loop3A_153, %add3A_10] : memref<32x128xf32, #tpu.memory_space<vmem>>[vector<16xi32>, vector<16xi32>], vector<16xf32>,
          %parallel_loop3A_159 = arith.addi %mul3A_77, %parallel_loop3A_153 : vector<16xi32>
          tpu.vector_store_idx %arg7[%add3A_42, %parallel_loop3A_159], %parallel_loop3A_158 : memref<32x128xf32, #tpu.memory_space<vmem>>[vector<16xi32>, vector<16xi32>], vector<16xf32>,
          %parallel_loop3A_160 = tpu.vector_load_idx %arg5[%parallel_loop3A_153, %add3A_13] : memref<32x128xf32, #tpu.memory_space<vmem>>[vector<16xi32>, vector<16xi32>], vector<16xf32>,
          %parallel_loop3A_161 = arith.addi %mul3A_77, %parallel_loop3A_153 : vector<16xi32>
          tpu.vector_store_idx %arg7[%add3A_48, %parallel_loop3A_161], %parallel_loop3A_160 : memref<32x128xf32, #tpu.memory_space<vmem>>[vector<16xi32>, vector<16xi32>], vector<16xf32>,
          %parallel_loop3A_162 = tpu.vector_load_idx %arg5[%parallel_loop3A_153, %add3A_16] : memref<32x128xf32, #tpu.memory_space<vmem>>[vector<16xi32>, vector<16xi32>], vector<16xf32>,
          %parallel_loop3A_163 = arith.addi %mul3A_77, %parallel_loop3A_153 : vector<16xi32>
          tpu.vector_store_idx %arg7[%add3A_54, %parallel_loop3A_163], %parallel_loop3A_162 : memref<32x128xf32, #tpu.memory_space<vmem>>[vector<16xi32>, vector<16xi32>], vector<16xf32>,
          %parallel_loop3A_164 = tpu.vector_load_idx %arg5[%parallel_loop3A_153, %add3A_19] : memref<32x128xf32, #tpu.memory_space<vmem>>[vector<16xi32>, vector<16xi32>], vector<16xf32>,
          %parallel_loop3A_165 = arith.addi %mul3A_77, %parallel_loop3A_153 : vector<16xi32>
          tpu.vector_store_idx %arg7[%add3A_60, %parallel_loop3A_165], %parallel_loop3A_164 : memref<32x128xf32, #tpu.memory_space<vmem>>[vector<16xi32>, vector<16xi32>], vector<16xf32>,
          %parallel_loop3A_166 = tpu.vector_load_idx %arg5[%parallel_loop3A_153, %add3A_22] : memref<32x128xf32, #tpu.memory_space<vmem>>[vector<16xi32>, vector<16xi32>], vector<16xf32>,
          %parallel_loop3A_167 = arith.addi %mul3A_77, %parallel_loop3A_153 : vector<16xi32>
          tpu.vector_store_idx %arg7[%add3A_66, %parallel_loop3A_167], %parallel_loop3A_166 : memref<32x128xf32, #tpu.memory_space<vmem>>[vector<16xi32>, vector<16xi32>], vector<16xf32>,
          %parallel_loop3A_168 = tpu.vector_load_idx %arg5[%parallel_loop3A_153, %add3A_25] : memref<32x128xf32, #tpu.memory_space<vmem>>[vector<16xi32>, vector<16xi32>], vector<16xf32>,
          %parallel_loop3A_169 = arith.addi %mul3A_77, %parallel_loop3A_153 : vector<16xi32>
          tpu.vector_store_idx %arg7[%add3A_72, %parallel_loop3A_169], %parallel_loop3A_168 : memref<32x128xf32, #tpu.memory_space<vmem>>[vector<16xi32>, vector<16xi32>], vector<16xf32>,
        } {sc.loop_unroll_factor = 2 : i64, sc.parallel_access}
        %add3A_134 = arith.constant 64 : i32
        %add3A_135 = arith.addi %add3A_114, %add3A_134 : i32
        %lt3A_136 = arith.constant 7812 : i32
        %lt3A_137 = arith.cmpi slt, %add3A_135, %lt3A_136 : i32
        %convert_element_type3A_138 = arith.extui %lt3A_137 : i1 to i32
        %cond3A_139 = arith.constant 0 : i32
        %cond3A_140 = arith.cmpi ne, %convert_element_type3A_138, %cond3A_139 : i32
        scf.if %cond3A_140 {
          %add3A_147 = arith.constant 64 : i32
          %add3A_148 = arith.addi %add3A_114, %add3A_147 : i32
          %mul3A_149 = arith.constant 128 : i32
          %mul3A_150 = arith.muli %add3A_148, %mul3A_149 : i32
          %dma_start3A_151 = arith.constant 0 : i32
          %dma_start3A_152 = tpu.memref_slice %arg2[%dma_start3A_151, %mul3A_150] : memref<32x1000000xf32, #tpu.memory_space<hbm>> -> memref<32x128xf32, #tpu.memory_space<hbm>>
          %dma_start3A_153 = arith.constant 0 : i32
          %dma_start3A_154 = tpu.memref_slice %arg2[%dma_start3A_153, %mul3A_150] : memref<32x1000000xf32, #tpu.memory_space<hbm>> -> memref<32x128xf32, #tpu.memory_space<hbm>>
          tpu.enqueue_dma source(%dma_start3A_154 : memref<32x128xf32, #tpu.memory_space<hbm>>) target(%arg5 : memref<32x128xf32, #tpu.memory_space<vmem>>) target_semaphore(%arg9 : memref<!tpu.dma_semaphore, #tpu.memory_space<semaphore_mem>>)
        } else {
        }
        %mul3A_141 = arith.constant 32 : i32
        %mul3A_142 = arith.muli %add3A_114, %mul3A_141 : i32
        %dma_start3A_143 = arith.constant 0 : i32
        %dma_start3A_144 = tpu.memref_slice %arg3[%mul3A_142, %dma_start3A_143] : memref<250000x128xf32, #tpu.memory_space<hbm>> -> memref<32x128xf32, #tpu.memory_space<hbm>>
        %dma_start3A_145 = arith.constant 0 : i32
        %dma_start3A_146 = tpu.memref_slice %arg3[%mul3A_142, %dma_start3A_145] : memref<250000x128xf32, #tpu.memory_space<hbm>> -> memref<32x128xf32, #tpu.memory_space<hbm>>
        tpu.enqueue_dma source(%arg7 : memref<32x128xf32, #tpu.memory_space<vmem>>) target(%dma_start3A_146 : memref<32x128xf32, #tpu.memory_space<hbm>>) target_semaphore(%arg11 : memref<!tpu.dma_semaphore, #tpu.memory_space<semaphore_mem>>)
      } else {
      }
    }
    %scan3A_95 = arith.constant 123 : i32
    %dma_wait3A = arith.constant 0 : i32
    %dma_wait3A_96 = arith.constant 0 : i32
    %dma_wait3A_97 = tpu.memref_slice %arg3[%dma_wait3A, %dma_wait3A_96] : memref<250000x128xf32, #tpu.memory_space<hbm>> -> memref<32x128xf32, #tpu.memory_space<hbm>>
    %dma_wait3A_98 = arith.constant 0 : i32
    %dma_wait3A_99 = arith.constant 0 : i32
    %dma_wait3A_100 = tpu.memref_slice %arg3[%dma_wait3A_98, %dma_wait3A_99] : memref<250000x128xf32, #tpu.memory_space<hbm>> -> memref<32x128xf32, #tpu.memory_space<hbm>>
    tpu.wait_dma2 semaphore(%arg10 : memref<!tpu.dma_semaphore, #tpu.memory_space<semaphore_mem>>) src(%arg6 : memref<32x128xf32, #tpu.memory_space<vmem>>) dst(%dma_wait3A_100 : memref<32x128xf32, #tpu.memory_space<hbm>>)
    %dma_wait3A_101 = arith.constant 0 : i32
    %dma_wait3A_102 = arith.constant 0 : i32
    %dma_wait3A_103 = tpu.memref_slice %arg3[%dma_wait3A_101, %dma_wait3A_102] : memref<250000x128xf32, #tpu.memory_space<hbm>> -> memref<32x128xf32, #tpu.memory_space<hbm>>
    %dma_wait3A_104 = arith.constant 0 : i32
    %dma_wait3A_105 = arith.constant 0 : i32
    %dma_wait3A_106 = tpu.memref_slice %arg3[%dma_wait3A_104, %dma_wait3A_105] : memref<250000x128xf32, #tpu.memory_space<hbm>> -> memref<32x128xf32, #tpu.memory_space<hbm>>
    tpu.wait_dma2 semaphore(%arg11 : memref<!tpu.dma_semaphore, #tpu.memory_space<semaphore_mem>>) src(%arg7 : memref<32x128xf32, #tpu.memory_space<vmem>>) dst(%dma_wait3A_106 : memref<32x128xf32, #tpu.memory_space<hbm>>)
    return
  }
}

</mosaic_0001>

<sc_bundles>
// kernel: _format_table.3.cloned.1.call-start
scs
__scs_entry_jumppad:
0x0: {  	(pc) =	sbr.rel $0x88, $3  }
0x1: {  	(tag) =	ssettag $0x0;
	lr =	simm.s32 $0x1  }
0x2: {  	[smem:$0x3FA0] =	sst lr;
	_ =	strace $0xD0000000  }
0x3: {  	_ = 	snop  }
0x4: {  	_ = 	snop  }
0x5: {  	_ = 	snop  }
0x6: {  	_ = 	snop  }
0x7: {  	_ = 	snop  }
__scs_overlays_trampoline_lowered:
0x8: {  	[smem:$0x3FAF] =	sst s0  }
0x9: {  	[smem:$0x3FB0] =	sst s1  }
0xa: {  	[smem:$0x3FB1] =	sst s2  }
0xb: {  	[smem:$0x3FB2] =	sst s3  }
0xc: {  	[smem:$0x3FB3] =	sst s4  }
0xd: {  	[smem:$0x3FB4] =	sst s5  }
0xe: {  	[smem:$0x3FB5] =	sst s6  }
0xf: {  	[smem:$0x3FB6] =	sst s7  }
0x10: {  	[smem:$0x3FB7] =	sst s8  }
0x11: {  	[smem:$0x3FB8] =	sst s9;
	s0 =	simm.s32 @!p0 $0x0  }
0x12: {  	s1 =	sld [smem:$0x3F9E];
	s0 =	simm.s32 @p0 $0x1  }
0x13: {  	[smem:$0x3FB9] =	sst s0;
	s0 =	simm.s32 @!p1 $0x0  }
0x14: {  	s2 =	sld [smem:$0x3F9D];
	s0 =	simm.s32 @p1 $0x1  }
0x15: {  	[smem:$0x3FBA] =	sst s0;
	s0 =	simm.s32 @!p2 $0x0  }
0x16: {  	s3 =	sld [smem:$0x3FDB];
	s0 =	simm.s32 @p2 $0x1  }
0x17: {  	s4 =	simm.s32 $0x1BF5;
	[smem:$0x3FBC] =	sst s0  }
0x18: {  	s0 =	sld [smem:$0x3F9F];
	_ =	swait.ge [sflag:s4], $0x0  }
0x19: {  	s7 =	sld [smem:$0x3FA0]  }
0x1a: {  	s8 =	sadd.s32 $0xFFFFE003, lr  }
0x1b: {  	s9 =	sadd.s32 $0xFFFFFEF7, lr;
	s5 =	simm.s32 $0xFFFFFFFF;
	p2 =	slt.u32 s8, $0xFFFFF086  }
0x1c: {  	p1 =	slt.u32 s9, $0xF7A;
	s5 =	simm.s32 @!p2 $0x0  }
0x1d: {  	s5 =	simm.s32 @p1 $0x1;
	p0 =	seq.s32 s7, s2  }
0x1e: {  	s7 =	smul.u32 @!p0 $0xF7A, s2;
	p2 =	seq.s32 @!p0 s5, $0x0  }
0x1f: {  	s9 =	smul.u32 $0xF7A, s1;
	s8 =	simm.s32 @!p0 $0x1BF5;
	p2 =	por !p2, p0  }
0x20: {  	[sflag:s8] =	ssyncset.s32 @!p0 $0xFFFFF086;
	s6 =	sadd.s32 @!p0 s3, s7;
	s7 =	simm.s32 @!p0 $0x108  }
0x21: {  	s3 =	sadd.s32 s3, s9;
	s6 =	sadd.s32 @!p0 $0x88, s6;
	s7 =	simm.s32 @p2 $0x1082  }
0x22: {  	[simem:s7], [sflag:s8] =	dma.local @!p0 [hbm:s6], $0xF7A  }
0x23: {  	s9 =	sor.u32 $0xD0000000, s2;
	s6 =	simm.s32 $0x108;
	_ =	swait.ge @!p0 [sflag:s8], $0x0  }
0x24: {  	s3 =	sadd.s32 $0x88, s3;
	s6 =	simm.s32 @!p1 $0x1082;
	[sflag:s4] =	ssyncset.s32 $0xFFFFF086  }
0x25: {  	[simem:s6], [sflag:s4] =	dma.local [hbm:s3], $0xF7A  }
0x26: {  	[smem:$0x3FA0] =	sst s1;
	(tag) =	ssettag s2;
	_ =	strace s9  }
0x27: {  	s1 =	sld [smem:$0x3FB0]  }
0x28: {  	s2 =	sld [smem:$0x3FB1]  }
0x29: {  	s4 =	sld [smem:$0x3FB3]  }
0x2a: {  	p0 =	seq.s32 s5, $0x0;
	s5 =	sld [smem:$0x3FB4]  }
0x2b: {  	s6 =	sld [smem:$0x3FB5]  }
0x2c: {  	s7 =	sld [smem:$0x3FB6]  }
0x2d: {  	s3 =	simm.s32 $0x108;
	s8 =	sld [smem:$0x3FB7]  }
0x2e: {  	s3 =	simm.s32 @!p0 $0x1082;
	s9 =	sld [smem:$0x3FB8]  }
0x2f: {  	lr =	sadd.s32 s0, s3;
	s0 =	sld [smem:$0x3FAF]  }
0x30: {  	s3 =	sld [smem:$0x3FB2]  }
0x31: {  	[smem:$0x3FBB] =	sst s10  }
0x32: {  	s10 =	sld [smem:$0x3FB9];
	_ =	sdelay $0x3  }
0x33: {  	p0 =	seq.s32 s10, $0x1;
	s10 =	sld [smem:$0x3FBB];
	_ =	sdelay $0x3  }
0x34: {  	[smem:$0x3FBB] =	sst s10  }
0x35: {  	s10 =	sld [smem:$0x3FBA];
	_ =	sdelay $0x3  }
0x36: {  	p1 =	seq.s32 s10, $0x1;
	s10 =	sld [smem:$0x3FBB];
	_ =	sdelay $0x3  }
0x37: {  	[smem:$0x3FBB] =	sst s10  }
0x38: {  	s10 =	sld [smem:$0x3FBC]  }
0x39: {  	_ = 	snop;
	(pc) =	sbr.ind lr, $3  }
0x3a: {  	_ = 	snop  }
0x3b: {  	_ = 	snop  }
0x3c: {  	p2 =	seq.s32 s10, $0x1;
	s10 =	sld [smem:$0x3FBB]  }
0x3d: {  	_ =	shalt  }
0x3e: {  	_ =	shalt  }
0x3f: {  	_ =	shalt  }
0x40: {  	_ =	shalt  }
0x41: {  	_ =	shalt  }
0x42: {  	_ =	shalt  }
0x43: {  	_ =	shalt  }
0x44: {  	_ =	shalt  }
0x45: {  	_ =	shalt  }
0x46: {  	_ =	shalt  }
0x47: {  	_ =	shalt  }
0x48: {  	_ =	shalt  }
0x49: {  	_ =	shalt  }
0x4a: {  	_ =	shalt  }
0x4b: {  	_ =	shalt  }
0x4c: {  	_ =	shalt  }
0x4d: {  	_ =	shalt  }
0x4e: {  	_ =	shalt  }
0x4f: {  	_ =	shalt  }
0x50: {  	_ =	shalt  }
0x51: {  	_ =	shalt  }
0x52: {  	_ =	shalt  }
0x53: {  	_ =	shalt  }
0x54: {  	_ =	shalt  }
0x55: {  	_ =	shalt  }
0x56: {  	_ =	shalt  }
0x57: {  	_ =	shalt  }
0x58: {  	_ =	shalt  }
0x59: {  	_ =	shalt  }
0x5a: {  	_ =	shalt  }
0x5b: {  	_ =	shalt  }
0x5c: {  	_ =	shalt  }
0x5d: {  	_ =	shalt  }
0x5e: {  	_ =	shalt  }
0x5f: {  	_ =	shalt  }
0x60: {  	_ =	shalt  }
0x61: {  	_ =	shalt  }
0x62: {  	_ =	shalt  }
0x63: {  	_ =	shalt  }
0x64: {  	_ =	shalt  }
0x65: {  	_ =	shalt  }
0x66: {  	_ =	shalt  }
0x67: {  	_ =	shalt  }
0x68: {  	_ =	shalt  }
0x69: {  	_ =	shalt  }
0x6a: {  	_ =	shalt  }
0x6b: {  	_ =	shalt  }
0x6c: {  	_ =	shalt  }
0x6d: {  	_ =	shalt  }
0x6e: {  	_ =	shalt  }
0x6f: {  	_ =	shalt  }
0x70: {  	_ =	shalt  }
0x71: {  	_ =	shalt  }
0x72: {  	_ =	shalt  }
0x73: {  	_ =	shalt  }
0x74: {  	_ =	shalt  }
0x75: {  	_ =	shalt  }
0x76: {  	_ =	shalt  }
0x77: {  	_ =	shalt  }
0x78: {  	_ =	shalt  }
0x79: {  	_ =	shalt  }
0x7a: {  	_ =	shalt  }
0x7b: {  	_ =	shalt  }
0x7c: {  	_ =	shalt  }
0x7d: {  	_ =	shalt  }
0x7e: {  	_ =	shalt  }
0x7f: {  	_ =	shalt  }
0x80: {  	_ =	shalt  }
0x81: {  	_ =	shalt  }
0x82: {  	_ =	shalt  }
0x83: {  	_ =	shalt  }
0x84: {  	_ =	shalt  }
0x85: {  	_ =	shalt  }
0x86: {  	_ =	shalt  }
0x87: {  	_ =	shalt  }
.Lfunc_end0:
.L_simem_size_0:
called_computation.1_lowered:
.L_overlay_start_0:
0x88: {  	s2 =	sld [smem:$0x3FD9]  }
0x89: {  	s3 =	sld [smem:$0x3FFE];
	_ =	sdelay $0x1  }
0x8a: {  	s1 =	srdreg.scid  }
0x8b: {  	s0 =	sand.u32 $0x1, s1  }
0x8c: {  	s18 =	sshll.u32 s0, $0xA;
	s2 =	sadd.s32 s3, s2  }
0x8d: {  	s2 =	sadd.s32 s2, s18  }
0x8e: {  	[smem:$0x3FC7] =	sst s2  }
0x8f: {  	_ = 	snop  }
0x90: {  	s2 =	sld [smem:$0x3FC9]  }
0x91: {  	s19 =	sld [smem:$0x3FD0];
	(tm) =	ssettm $0x1  }
0x92: {  	s4 =	sld [smem:$0x3FFB];
	_ =	sdelay $0x3  }
0x93: {  	_ =	strace s4  }
0x94: {  	s4 =	sld [smem:$0x3FFC];
	_ =	sdelay $0x3  }
0x95: {  	_ =	strace s4  }
0x96: {  	s4 =	sld [smem:$0x3FFD];
	_ =	sdelay $0x3  }
0x97: {  	_ =	strace s4  }
0x98: {  	_ =	strace $0x8FFFFFFF  }
0x99: {  	s20 =	sld [smem:$0x3FDB];
	_ =	sdelay $0x1  }
0x9a: {  	s5 =	simm.s32 $_scs_section_size  }
0x9b: {  	s6 =	simm.s32 $_size__tile_overlayer_lowered;
	s7 =	simm.s32 $_tile_overlayer_lowered  }
0x9c: {  	s23 =	simm.s32 $0x1BFF;
	s22 =	sshll.u32 s7, $0x1;
	s4 =	sadd.s32 s5, s20  }
0x9d: {  	s8 =	simm.s32 $0x0;
	s21 =	sshll.u32 s6, $0x1;
	s6 =	sadd.s32 s22, s4  }
0x9e: {  	[timem:s8], [sflag:s23] =	dma.local [hbm:s6], s21  }
0x9f: {  	_ =	swait.ge [sflag:s23], s21  }
0xa0: {  	s5 =	ssub.s32 $0x0, s21;
	[sflag:s23] =	ssyncset.done $0x0  }
0xa1: {  	[sflag:s23] =	ssyncadd.s32 s5;
	_ =	sdelay $0x1  }
0xa2: {  	s24 =	simm.s32 $0x1B8B  }
0xa3: {  	_ =	swait.ge [sflag:s24], $0x1  }
0xa4: {  	[sflag:s24] =	ssyncset.done $0x0  }
0xa5: {  	s25 =	simm.s32 $0x1B8E;
	[sflag:s24] =	ssyncadd.s32 $0xFFFFFFFF  }
0xa6: {  	s26 =	simm.s32 $execute0_lowered;
	[smem:$0x3FD2] =	sst s25  }
0xa7: {  	s5 =	sshll.u32 s26, $0x1;
	_ =	strace $0x80000046;
	[dreg:$0x1] =	wrdreg $0xFFFFFFFF  }
0xa8: {  	s28 =	simm.s32 $_size_execute0_lowered;
	s4 =	sadd.s32 s4, s5;
	[dreg:$0x0] =	wrdreg $0x0  }
0xa9: {  	s5 =	sshll.u32 s28, $0x1;
	[dreg:$0x2] =	wrdreg s4  }
0xaa: {  	[dreg:$0x3] =	wrdreg s5  }
0xab: {  	[dreg:$0x4] =	wrdreg $0xC0  }
0xac: {  	_ =	task [dreg:s8], $0x5FFFF  }
0xad: {  	[dreg:$0x1] =	wrdreg $0xFFFFFFFF  }
0xae: {  	[dreg:$0x0] =	wrdreg $0x60  }
0xaf: {  	[dreg:$0x2] =	wrdreg s2  }
0xb0: {  	[dreg:$0x3] =	wrdreg s19  }
0xb1: {  	[dreg:$0x4] =	wrdreg $0x9  }
0xb2: {  	_ =	task.clear_ibuf [dreg:s8], $0x5FFFF;
	_ =	strace $0x90000046  }
0xb3: {  	s29 =	simm.s32 $0x9;
	_ =	strace $0x80000048  }
0xb4: {  	_ =	swait.ge [sflag:s29], $0x1  }
0xb5: {  	[sflag:s29] =	ssyncadd.s32 $0xFFFFFFFF  }
0xb6: {  	_ =	strace $0x90000048  }
0xb7: {  	_ =	sfence  }
0xb8: {  	s30 =	sld [smem:$0x0];
	_ =	sdelay $0x2  }
0xb9: {  	s31 =	sshll.u32 s1, $0xD;
	s1 =	sshrl.u32 s1, $0x2  }
0xba: {  	s3 =	sand.u32 $0x4000, s31;
	s1 =	sadd.s32 s1, s30  }
0xbb: {  	s0 =	sor.u32 s3, s0;
	s1 =	sshll.u32 s1, $0x11  }
0xbc: {  	s0 =	sor.u32 s1, s0  }
0xbd: {  	s0 =	sadd.s32 $0x8F2B, s0  }
0xbe: {  	[sflag:s0] =	ssyncadd.remote.s32 $0x1  }
0xbf: {  	_ =	sfence.sel $0xFFFF  }
0xc0: {  	[dreg:$0x0] =	wrdreg $0xFFFFFFFF;
	(pc) =	sbr.abs _section_cstart, $3  }
0xc1: {  	[dreg:$0x1] =	wrdreg $0xFFFFFFFF  }
0xc2: {  	_ =	task.clear_ibuf [dreg:s8], $0x2FFFF;
	_ =	strace $0x9FFFFFFF  }
0xc3: {  	(tm) =	ssettm $0x7FFFFFFF  }
tec
execute0_lowered:
.L_overlay_start_1:
0x0: {  	(tag) =	ssettag $0x1  }
0x1: {  	s8 =	rddreg [dreg:$0x0];
	s1 =	srdreg.scid  }
0x2: {  	s0 =	stileid.u32;
	s2 =	rddreg [dreg:$0x1]  }
0x3: {  	s3 =	simm.s32 $0x0;
	s10 =	simm.s32 $0x400;
	s11 =	simm.s32 $0x7A1400  }
0x4: {  	s12 =	simm.s32 $0x1000;
	s13 =	simm.s32 $0x1;
	s14 =	simm.s32 $0x2000  }
0x5: {  	s15 =	simm.s32 $0x2;
	s16 =	simm.s32 $0x3000;
	s17 =	simm.s32 $0x3  }
0x6: {  	v0 =	vlaneseq.u32;
	s18 =	simm.s32 $0x4;
	s19 =	simm.s32 $0x0;
	s5 =	sand.u32 $0x1, s1  }
.Ltmp0:
0x7: {  	s4 =	sshll.u32 s0, $0x1;
	s1 =	rddreg [dreg:$0x2];
	v1 =	vmul.u32 $0x20, v0;
	v2 =	vor.u32 $0x10, v0;
	v4 =	vor.u32 $0x20, v0;
	(pc) =	sbr.rel .LBB2_1-.Ltmp0, $4  }
0x8: {  	[smem:$0x7FF] =	sst s3;
	v6 =	vor.u32 $0x30, v0;
	v8 =	vor.u32 $0x40, v0;
	v10 =	vor.u32 $0x50, v0;
	s4 =	sor.u32 s5, s4;
	s6 =	ssub.s32 $0x2, s5  }
0x9: {  	v12 =	vor.u32 $0x60, v0;
	v14 =	vor.u32 $0x70, v0;
	_ =	strace $0x80000047;
	s31 =	sshll.u32 s4, $0x7;
	s7 =	sshrl.u32 s6, $0x1;
	v3 =	vor.u32 $0x200, v1  }
0xa: {  	v5 =	vor.u32 $0x400, v1;
	v7 =	vor.u32 $0x600, v1;
	v9 =	vor.u32 $0x800, v1;
	s5 =	sadd.s32 s8, s31;
	s9 =	ssub.s32 s6, s7;
	s7 =	sadd.s32 $0x2000, s8  }
0xb: {  	v11 =	vor.u32 $0xA00, v1;
	v13 =	vor.u32 $0xC00, v1;
	v15 =	vor.u32 $0xE00, v1;
	s8 =	sadd.s32 $0x3000, s8;
	s6 =	sadd.s32 $0x1000, s5;
	s9 =	smax.u32 s9, $0x1  }
.LBB2_10:
0xc: {  	s19 =	sadd.s32 $0x1, s19  }
0xd: {  	_ =	swait.ge [sflag:s17], $0x1000;
	p0 =	sne.s32 s19, s9  }
.Ltmp1:
0xe: {  	[sflag:s17] =	ssyncset.done $0x0;
	(pc) =	sbr.rel @!p0 .LBB2_11-.Ltmp1, $4  }
0xf: {  	[sflag:s17] =	ssyncadd.s32 $0xFFFFF000  }
0x10: {  	_ =	swait.ge [sflag:s18], $0x1000  }
0x11: {  	[sflag:s18] =	ssyncset.done $0x0  }
0x12: {  	[sflag:s18] =	ssyncadd.s32 $0xFFFFF000  }
.LBB2_1:
.Ltmp2:
0x13: {  	(pc) =	sbr.rel .LBB2_2-.Ltmp2, $4  }
0x14: {  	_ = 	snop  }
0x15: {  	[tilespmem:s3], [sflag:$0x1] =	stream.strided.gather [hbm4b:s5+s10], $0x1000, s11, s10, $0x38;
	[tilespmem:$0x4000] =	vst v63  }
0x16: {  	s20 =	simm.s32 $0x0  }
0x17: {  	[tilespmem:s12], [sflag:$0x2] =	stream.strided.gather [hbm4b:s6+s10], $0x1000, s11, s10, $0x38;
	[tilespmem:$0x4000] =	vst v63  }
.LBB2_9:
0x18: {  	s20 =	sadd.s32 $0x1, s20  }
0x19: {  	p0 =	sne.s32 s20, $0x7B  }
.Ltmp3:
0x1a: {  	_ = 	snop;
	(pc) =	sbr.rel @!p0 .LBB2_10-.Ltmp3, $1  }
0x1b: {  	_ =	sdelay $0x3  }
.LBB2_2:
0x1c: {  	s21 =	sshll.u32 s20, $0x6  }
0x1d: {  	s21 =	sor.u32 s4, s21  }
0x1e: {  	p0 =	sgt.u32 s21, $0x1E83  }
.Ltmp4:
0x1f: {  	_ = 	snop;
	(pc) =	sbr.rel @p0 .LBB2_9-.Ltmp4, $1  }
0x20: {  	_ =	sdelay $0x3  }
0x21: {  	s22 =	simm.s32 $0x0  }
0x22: {  	p0 =	seq.s32 s20, $0x0;
	v16 =	vadd.s32 s22, v0  }
0x23: {  	s23 =	simm.s32 $0x1;
	s22 =	simm.s32 @!p0 $0x3;
	v23 =	vand.u32 $0x1F, v16  }
0x24: {  	_ =	swait.ge @!p0 [sflag:s22], $0x1000;
	v16 =	vadd.s32 s23, v0;
	v27 =	vshll.u32 v23, $0x7  }
0x25: {  	[sflag:s22] =	ssyncset.done @!p0 $0x0;
	v22 =	vand.u32 $0x1F, v16;
	v17 =	vor.u32 v0, v27  }
0x26: {  	[sflag:s22] =	ssyncadd.s32 @!p0 $0xFFFFF000;
	v28 =	vshll.u32 v22, $0x7  }
0x27: {  	_ =	swait.ge [sflag:s13], $0x1000;
	v16 =	vor.u32 v0, v28  }
0x28: {  	[sflag:s13] =	ssyncset.done $0x0  }
0x29: {  	[sflag:s13] =	ssyncadd.s32 $0xFFFFF000  }
0x2a: {  	v18 =	vor.u32 v1, v23;
	v17 =	vld.idx.msk [tilespmem:v17+s3+$0x0], $0xffff  }
0x2b: {  	v19 =	vor.u32 v2, v27  }
0x2c: {  	v20 =	vor.u32 v1, v22;
	v16 =	vld.idx.msk [tilespmem:v16+s3+$0x0], $0xffff  }
0x2d: {  	v21 =	vor.u32 v2, v28;
	_ =	sdelay $0x1  }
0x2e: {  	[tilespmem:v18+s14+$0x0] =	vst.idx.msk $0xffff, v17  }
0x2f: {  	s26 =	simm.s32 $0x2;
	v24 =	vor.u32 v3, v23;
	v18 =	vld.idx.msk [tilespmem:v19+s3+$0x0], $0xffff  }
0x30: {  	v25 =	vor.u32 v4, v27;
	v17 =	vadd.s32 s26, v0;
	[tilespmem:v20+s14+$0x0] =	vst.idx.msk $0xffff, v16  }
0x31: {  	s28 =	simm.s32 $0x3;
	v19 =	vand.u32 $0x1F, v17;
	v20 =	vld.idx.msk [tilespmem:v21+s3+$0x0], $0xffff;
	v21 =	vor.u32 v3, v22  }
0x32: {  	v26 =	vor.u32 v4, v28;
	v16 =	vadd.s32 s28, v0;
	v17 =	vshll.u32 v19, $0x7  }
0x33: {  	v16 =	vand.u32 $0x1F, v16;
	v29 =	vor.u32 v0, v17  }
0x34: {  	[tilespmem:v24+s14+$0x0] =	vst.idx.msk $0xffff, v18;
	v18 =	vshll.u32 v16, $0x7  }
0x35: {  	v24 =	vor.u32 v5, v23;
	v25 =	vld.idx.msk [tilespmem:v25+s3+$0x0], $0xffff;
	v30 =	vor.u32 v0, v18  }
0x36: {  	[tilespmem:v21+s14+$0x0] =	vst.idx.msk $0xffff, v20  }
0x37: {  	v20 =	vor.u32 v6, v27;
	v21 =	vld.idx.msk [tilespmem:v26+s3+$0x0], $0xffff;
	v26 =	vor.u32 v5, v22  }
0x38: {  	v32 =	vor.u32 v6, v28;
	v31 =	vor.u32 v1, v19;
	v29 =	vld.idx.msk [tilespmem:v29+s3+$0x0], $0xffff  }
0x39: {  	v33 =	vor.u32 v2, v17  }
0x3a: {  	[tilespmem:v24+s14+$0x0] =	vst.idx.msk $0xffff, v25;
	v24 =	vld.idx.msk [tilespmem:v30+s3+$0x0], $0xffff;
	v25 =	vor.u32 v1, v16  }
0x3b: {  	v30 =	vor.u32 v2, v18  }
0x3c: {  	v35 =	vor.u32 v7, v23;
	v34 =	vld.idx.msk [tilespmem:v20+s3+$0x0], $0xffff;
	[tilespmem:v26+s14+$0x0] =	vst.idx.msk $0xffff, v21  }
0x3d: {  	v21 =	vor.u32 v8, v27;
	[tilespmem:v31+s14+$0x0] =	vst.idx.msk $0xffff, v29;
	v29 =	vor.u32 v7, v22;
	v26 =	vld.idx.msk [tilespmem:v32+s3+$0x0], $0xffff  }
0x3e: {  	s29 =	simm.s32 $0x4;
	v53 =	vor.u32 v9, v23;
	v52 =	vor.u32 v8, v28;
	v51 =	vor.u32 v3, v19;
	v31 =	vld.idx.msk [tilespmem:v33+s3+$0x0], $0xffff  }
0x3f: {  	v39 =	vor.u32 v10, v27;
	v63 =	vor.u32 v12, v27;
	v20 =	vadd.s32 s29, v0;
	[tilespmem:v25+s14+$0x0] =	vst.idx.msk $0xffff, v24  }
0x40: {  	v36 =	vor.u32 v4, v17;
	v37 =	vor.u32 v3, v16;
	v20 =	vand.u32 $0x1F, v20;
	v30 =	vld.idx.msk [tilespmem:v30+s3+$0x0], $0xffff  }
0x41: {  	s30 =	simm.s32 $0x5;
	v44 =	vor.u32 v11, v22;
	v54 =	vor.u32 v4, v18;
	v24 =	vshll.u32 v20, $0x7;
	[tilespmem:v35+s14+$0x0] =	vst.idx.msk $0xffff, v34  }
0x42: {  	v38 =	vld.idx.msk [tilespmem:v21+s3+$0x0], $0xffff;
	[tilespmem:v29+s14+$0x0] =	vst.idx.msk $0xffff, v26;
	v26 =	vor.u32 v0, v24;
	v21 =	vadd.s32 s30, v0  }
0x43: {  	[tilespmem:v51+s14+$0x0] =	vst.idx.msk $0xffff, v31;
	v31 =	vor.u32 v9, v22;
	v29 =	vld.idx.msk [tilespmem:v52+s3+$0x0], $0xffff;
	v21 =	vand.u32 $0x1F, v21  }
0x44: {  	v57 =	vor.u32 v10, v28;
	v46 =	vor.u32 v12, v28;
	v25 =	vshll.u32 v21, $0x7  }
0x45: {  	v55 =	vor.u32 v5, v19;
	v56 =	vld.idx.msk [tilespmem:v36+s3+$0x0], $0xffff;
	v40 =	vor.u32 v0, v25;
	[tilespmem:v37+s14+$0x0] =	vst.idx.msk $0xffff, v30  }
0x46: {  	v58 =	vor.u32 v6, v17;
	v59 =	vor.u32 v5, v16;
	v49 =	vor.u32 v8, v17;
	v30 =	vld.idx.msk [tilespmem:v54+s3+$0x0], $0xffff  }
0x47: {  	v61 =	vor.u32 v6, v18;
	v60 =	vor.u32 v1, v20;
	v41 =	vld.idx.msk [tilespmem:v26+s3+$0x0], $0xffff;
	[tilespmem:v53+s14+$0x0] =	vst.idx.msk $0xffff, v38  }
0x48: {  	v42 =	vld.idx.msk [tilespmem:v39+s3+$0x0], $0xffff;
	[tilespmem:v31+s14+$0x0] =	vst.idx.msk $0xffff, v29;
	v29 =	vor.u32 v2, v24;
	v31 =	vor.u32 v11, v23  }
0x49: {  	v50 =	vor.u32 v7, v16;
	v32 =	vor.u32 v13, v23;
	v33 =	vor.u32 v14, v27;
	v62 =	vld.idx.msk [tilespmem:v57+s3+$0x0], $0xffff  }
0x4a: {  	v43 =	vor.u32 v3, v20;
	v45 =	vor.u32 v1, v21;
	[tilespmem:v55+s14+$0x0] =	vst.idx.msk $0xffff, v56;
	v40 =	vld.idx.msk [tilespmem:v40+s3+$0x0], $0xffff  }
0x4b: {  	s31 =	simm.s32 $0x6;
	v47 =	vor.u32 v2, v25;
	v35 =	vld.idx.msk [tilespmem:v58+s3+$0x0], $0xffff;
	[tilespmem:v59+s14+$0x0] =	vst.idx.msk $0xffff, v30;
	v30 =	vor.u32 v7, v19  }
0x4c: {  	v34 =	vor.u32 v14, v28;
	v26 =	vadd.s32 s31, v0;
	[tilespmem:v60+s14+$0x0] =	vst.idx.msk $0xffff, v41;
	v48 =	vld.idx.msk [tilespmem:v61+s3+$0x0], $0xffff  }
0x4d: {  	v38 =	vor.u32 v8, v18;
	v26 =	vand.u32 $0x1F, v26;
	v39 =	vld.idx.msk [tilespmem:v29+s3+$0x0], $0xffff;
	[tilespmem:v31+s14+$0x0] =	vst.idx.msk $0xffff, v42  }
0x4e: {  	v27 =	vshll.u32 v26, $0x7;
	v41 =	vor.u32 v4, v24;
	v36 =	vld.idx.msk [tilespmem:v63+s3+$0x0], $0xffff;
	[tilespmem:v44+s14+$0x0] =	vst.idx.msk $0xffff, v62  }
0x4f: {  	v29 =	vor.u32 v9, v19;
	v31 =	vor.u32 v5, v20;
	[tilespmem:v45+s14+$0x0] =	vst.idx.msk $0xffff, v40;
	v37 =	vld.idx.msk [tilespmem:v46+s3+$0x0], $0xffff  }
0x50: {  	v44 =	vor.u32 v3, v21;
	v40 =	vor.u32 v13, v22;
	v42 =	vld.idx.msk [tilespmem:v47+s3+$0x0], $0xffff;
	[tilespmem:v30+s14+$0x0] =	vst.idx.msk $0xffff, v35  }
0x51: {  	s24 =	simm.s32 $0x7;
	s23 =	simm.s32 $0x8;
	s22 =	sor.u32 $0x20, s21;
	v45 =	vor.u32 v4, v25;
	v30 =	vor.u32 v10, v17;
	v35 =	vld.idx.msk [tilespmem:v49+s3+$0x0], $0xffff;
	[tilespmem:v50+s14+$0x0] =	vst.idx.msk $0xffff, v48  }
.LBB2_4:
0x52: {  	v28 =	vor.u32 v0, v27;
	v46 =	vadd.s32 s24, v0;
	[tilespmem:v43+s14+$0x0] =	vst.idx.msk $0xffff, v39;
	v47 =	vmov v18  }
0x53: {  	p1 =	slt.u32 s23, $0x1E;
	v38 =	vld.idx.msk [tilespmem:v38+s3+$0x0], $0xffff;
	v18 =	vmovc v25;
	v39 =	vmovc v20;
	v20 =	vmov v26;
	v48 =	vmov v17;
	v17 =	vmov v24  }
0x54: {  	v43 =	vor.u32 v9, v16;
	v24 =	vmov v27;
	v26 =	vand.u32 $0x1F, v46;
	v41 =	vld.idx.msk [tilespmem:v41+s3+$0x0], $0xffff;
	[tilespmem:v32+s14+$0x0] =	vst.idx.msk $0xffff, v36  }
0x55: {  	v27 =	vor.u32 v10, v47;
	v25 =	vshll.u32 v26, $0x7;
	v32 =	vld.idx.msk [tilespmem:v33+s3+$0x0], $0xffff;
	[tilespmem:v40+s14+$0x0] =	vst.idx.msk $0xffff, v37  }
0x56: {  	v36 =	vor.u32 v15, v23;
	v33 =	vor.u32 v0, v25;
	[tilespmem:v44+s14+$0x0] =	vst.idx.msk $0xffff, v42;
	v34 =	vld.idx.msk [tilespmem:v34+s3+$0x0], $0xffff  }
0x57: {  	v23 =	vmovc v19;
	v40 =	vor.u32 v15, v22;
	v22 =	vmovc v16;
	v16 =	vmov v21;
	v21 =	vmov v26;
	v37 =	vld.idx.msk [tilespmem:v45+s3+$0x0], $0xffff  }
0x58: {  	v19 =	vor.u32 v6, v17;
	v42 =	vor.u32 v5, v16;
	v28 =	vld.idx.msk [tilespmem:v28+s3+$0x0], $0xffff;
	[tilespmem:v29+s14+$0x0] =	vst.idx.msk $0xffff, v35  }
0x59: {  	v29 =	vor.u32 v1, v20;
	v35 =	vor.u32 v6, v18;
	v30 =	vld.idx.msk [tilespmem:v30+s3+$0x0], $0xffff;
	[tilespmem:v43+s14+$0x0] =	vst.idx.msk $0xffff, v38  }
0x5a: {  	v38 =	vor.u32 v2, v24;
	[tilespmem:v31+s14+$0x0] =	vst.idx.msk $0xffff, v41;
	v31 =	vor.u32 v11, v23;
	v27 =	vld.idx.msk [tilespmem:v27+s3+$0x0], $0xffff  }
0x5b: {  	v44 =	vor.u32 v11, v22;
	v41 =	vor.u32 v12, v48;
	v33 =	vld.idx.msk [tilespmem:v33+s3+$0x0], $0xffff;
	[tilespmem:v36+s14+$0x0] =	vst.idx.msk $0xffff, v32  }
0x5c: {  	v46 =	vor.u32 v12, v47;
	v26 =	vadd.s32 s23, v0;
	v45 =	vor.u32 v1, v21;
	[tilespmem:v40+s14+$0x0] =	vst.idx.msk $0xffff, v34  }
0x5d: {  	v26 =	vand.u32 $0x1F, v26;
	v34 =	vor.u32 v2, v25;
	v49 =	vld.idx.msk [tilespmem:v19+s3+$0x0], $0xffff;
	[tilespmem:v42+s14+$0x0] =	vst.idx.msk $0xffff, v37;
	v19 =	vmov v39  }
0x5e: {  	v32 =	vor.u32 v13, v23;
	[tilespmem:v29+s14+$0x0] =	vst.idx.msk $0xffff, v28;
	v28 =	vor.u32 v7, v19;
	v50 =	vld.idx.msk [tilespmem:v35+s3+$0x0], $0xffff  }
0x5f: {  	v51 =	vor.u32 v7, v16;
	v35 =	vor.u32 v8, v17;
	v39 =	vld.idx.msk [tilespmem:v38+s3+$0x0], $0xffff;
	[tilespmem:v31+s14+$0x0] =	vst.idx.msk $0xffff, v30  }
.Ltmp5:
0x60: {  	v43 =	vor.u32 v3, v20;
	v38 =	vor.u32 v8, v18;
	v36 =	vld.idx.msk [tilespmem:v41+s3+$0x0], $0xffff;
	[tilespmem:v44+s14+$0x0] =	vst.idx.msk $0xffff, v27;
	(pc) =	sbr.rel @p1 .LBB2_4-.Ltmp5, $4  }
0x61: {  	v29 =	vor.u32 v9, v19;
	v41 =	vor.u32 v4, v24;
	[tilespmem:v45+s14+$0x0] =	vst.idx.msk $0xffff, v33;
	v37 =	vld.idx.msk [tilespmem:v46+s3+$0x0], $0xffff  }
0x62: {  	v40 =	vor.u32 v13, v22;
	v31 =	vor.u32 v5, v20;
	v33 =	vor.u32 v14, v48;
	v42 =	vld.idx.msk [tilespmem:v34+s3+$0x0], $0xffff  }
0x63: {  	v27 =	vshll.u32 v26, $0x7;
	v44 =	vor.u32 v3, v21;
	v34 =	vor.u32 v14, v47;
	[tilespmem:v28+s14+$0x0] =	vst.idx.msk $0xffff, v49  }
0x64: {  	s24 =	sadd.s32 $0x1, s23;
	s23 =	sadd.s32 $0x2, s23;
	v30 =	vor.u32 v10, v17;
	v45 =	vor.u32 v4, v25;
	v35 =	vld.idx.msk [tilespmem:v35+s3+$0x0], $0xffff;
	[tilespmem:v51+s14+$0x0] =	vst.idx.msk $0xffff, v50  }
0x65: {  	v28 =	vadd.s32 s24, v0  }
0x66: {  	v28 =	vand.u32 $0x1F, v28  }
0x67: {  	v46 =	vor.u32 v0, v27;
	v47 =	vshll.u32 v28, $0x7  }
0x68: {  	v48 =	vor.u32 v0, v47;
	_ =	sdelay $0x3  }
0x69: {  	v49 =	vor.u32 v1, v26;
	v46 =	vld.idx.msk [tilespmem:v46+s3+$0x0], $0xffff  }
0x6a: {  	v50 =	vor.u32 v2, v27;
	v51 =	vor.u32 v1, v28;
	v48 =	vld.idx.msk [tilespmem:v48+s3+$0x0], $0xffff  }
0x6b: {  	v52 =	vor.u32 v2, v47;
	_ =	sdelay $0x2  }
0x6c: {  	[tilespmem:v49+s14+$0x0] =	vst.idx.msk $0xffff, v46  }
0x6d: {  	v59 =	vor.u32 v3, v26;
	v46 =	vld.idx.msk [tilespmem:v50+s3+$0x0], $0xffff;
	[tilespmem:v51+s14+$0x0] =	vst.idx.msk $0xffff, v48  }
0x6e: {  	v60 =	vor.u32 v4, v27;
	v62 =	vor.u32 v3, v28;
	v61 =	vld.idx.msk [tilespmem:v52+s3+$0x0], $0xffff  }
0x6f: {  	v63 =	vor.u32 v4, v47  }
0x70: {  	[tilespmem:v43+s14+$0x0] =	vst.idx.msk $0xffff, v39  }
0x71: {  	v39 =	vld.idx.msk [tilespmem:v41+s3+$0x0], $0xffff;
	[tilespmem:v44+s14+$0x0] =	vst.idx.msk $0xffff, v42  }
0x72: {  	v56 =	vor.u32 v6, v24;
	v57 =	vor.u32 v5, v21;
	v55 =	vld.idx.msk [tilespmem:v45+s3+$0x0], $0xffff;
	[tilespmem:v59+s14+$0x0] =	vst.idx.msk $0xffff, v46  }
0x73: {  	v58 =	vor.u32 v6, v25;
	v59 =	vor.u32 v5, v26;
	v46 =	vld.idx.msk [tilespmem:v60+s3+$0x0], $0xffff;
	[tilespmem:v62+s14+$0x0] =	vst.idx.msk $0xffff, v61  }
0x74: {  	[tilespmem:v32+s14+$0x0] =	vst.idx.msk $0xffff, v36;
	v61 =	vor.u32 v6, v27;
	v62 =	vor.u32 v5, v28;
	v60 =	vld.idx.msk [tilespmem:v63+s3+$0x0], $0xffff  }
0x75: {  	[tilespmem:v40+s14+$0x0] =	vst.idx.msk $0xffff, v37;
	v63 =	vor.u32 v6, v47  }
0x76: {  	v23 =	vor.u32 v15, v23;
	v33 =	vld.idx.msk [tilespmem:v33+s3+$0x0], $0xffff;
	[tilespmem:v31+s14+$0x0] =	vst.idx.msk $0xffff, v39  }
0x77: {  	v39 =	vld.idx.msk [tilespmem:v56+s3+$0x0], $0xffff;
	[tilespmem:v57+s14+$0x0] =	vst.idx.msk $0xffff, v55;
	v51 =	vor.u32 v7, v20  }
0x78: {  	v53 =	vor.u32 v7, v21;
	v41 =	vld.idx.msk [tilespmem:v58+s3+$0x0], $0xffff;
	v52 =	vor.u32 v8, v24;
	[tilespmem:v59+s14+$0x0] =	vst.idx.msk $0xffff, v46  }
0x79: {  	v54 =	vor.u32 v8, v25;
	v55 =	vor.u32 v7, v26;
	v36 =	vld.idx.msk [tilespmem:v61+s3+$0x0], $0xffff;
	[tilespmem:v62+s14+$0x0] =	vst.idx.msk $0xffff, v60  }
0x7a: {  	[tilespmem:v29+s14+$0x0] =	vst.idx.msk $0xffff, v35;
	v57 =	vor.u32 v8, v27;
	v58 =	vor.u32 v7, v28;
	v56 =	vld.idx.msk [tilespmem:v63+s3+$0x0], $0xffff  }
0x7b: {  	[tilespmem:v23+s14+$0x0] =	vst.idx.msk $0xffff, v33;
	v49 =	vld.idx.msk [tilespmem:v38+s3+$0x0], $0xffff;
	v50 =	vor.u32 v9, v16;
	v59 =	vor.u32 v8, v47  }
0x7c: {  	v22 =	vor.u32 v15, v22;
	v34 =	vld.idx.msk [tilespmem:v34+s3+$0x0], $0xffff;
	[tilespmem:v51+s14+$0x0] =	vst.idx.msk $0xffff, v39  }
0x7d: {  	[tilespmem:v53+s14+$0x0] =	vst.idx.msk $0xffff, v41;
	v40 =	vld.idx.msk [tilespmem:v52+s3+$0x0], $0xffff;
	v61 =	vor.u32 v9, v20;
	v60 =	vor.u32 v10, v18  }
0x7e: {  	v45 =	vor.u32 v9, v21;
	v62 =	vor.u32 v10, v24;
	v63 =	vld.idx.msk [tilespmem:v54+s3+$0x0], $0xffff;
	[tilespmem:v55+s14+$0x0] =	vst.idx.msk $0xffff, v36  }
0x7f: {  	v48 =	vor.u32 v9, v26;
	v46 =	vor.u32 v10, v25;
	v35 =	vld.idx.msk [tilespmem:v57+s3+$0x0], $0xffff;
	[tilespmem:v58+s14+$0x0] =	vst.idx.msk $0xffff, v56  }
0x80: {  	[tilespmem:v50+s14+$0x0] =	vst.idx.msk $0xffff, v49;
	v49 =	vor.u32 v10, v27;
	v50 =	vor.u32 v9, v28;
	v29 =	vld.idx.msk [tilespmem:v59+s3+$0x0], $0xffff  }
0x81: {  	v30 =	vld.idx.msk [tilespmem:v30+s3+$0x0], $0xffff;
	[tilespmem:v22+s14+$0x0] =	vst.idx.msk $0xffff, v34;
	v51 =	vor.u32 v11, v19;
	v52 =	vor.u32 v10, v47  }
0x82: {  	v54 =	vor.u32 v12, v17;
	v55 =	vor.u32 v11, v16;
	[tilespmem:v61+s14+$0x0] =	vst.idx.msk $0xffff, v40;
	v53 =	vld.idx.msk [tilespmem:v60+s3+$0x0], $0xffff  }
0x83: {  	v40 =	vld.idx.msk [tilespmem:v62+s3+$0x0], $0xffff;
	v57 =	vor.u32 v11, v20;
	v56 =	vor.u32 v12, v18;
	[tilespmem:v45+s14+$0x0] =	vst.idx.msk $0xffff, v63  }
0x84: {  	v58 =	vor.u32 v12, v24;
	v32 =	vld.idx.msk [tilespmem:v46+s3+$0x0], $0xffff;
	v59 =	vor.u32 v11, v21;
	[tilespmem:v48+s14+$0x0] =	vst.idx.msk $0xffff, v35  }
0x85: {  	v61 =	vor.u32 v11, v26;
	v60 =	vor.u32 v12, v25;
	v23 =	vld.idx.msk [tilespmem:v49+s3+$0x0], $0xffff;
	[tilespmem:v50+s14+$0x0] =	vst.idx.msk $0xffff, v29  }
0x86: {  	[tilespmem:v51+s14+$0x0] =	vst.idx.msk $0xffff, v30;
	v62 =	vor.u32 v12, v27;
	v63 =	vor.u32 v11, v28;
	v22 =	vld.idx.msk [tilespmem:v52+s3+$0x0], $0xffff  }
0x87: {  	v44 =	vor.u32 v13, v19;
	v45 =	vld.idx.msk [tilespmem:v54+s3+$0x0], $0xffff;
	v46 =	vor.u32 v12, v47;
	[tilespmem:v55+s14+$0x0] =	vst.idx.msk $0xffff, v53  }
0x88: {  	v17 =	vor.u32 v14, v17;
	[tilespmem:v57+s14+$0x0] =	vst.idx.msk $0xffff, v40;
	v48 =	vld.idx.msk [tilespmem:v56+s3+$0x0], $0xffff;
	v49 =	vor.u32 v13, v16  }
0x89: {  	v51 =	vor.u32 v13, v20;
	v40 =	vld.idx.msk [tilespmem:v58+s3+$0x0], $0xffff;
	v50 =	vor.u32 v14, v18;
	[tilespmem:v59+s14+$0x0] =	vst.idx.msk $0xffff, v32  }
0x8a: {  	v53 =	vor.u32 v13, v21;
	v32 =	vld.idx.msk [tilespmem:v60+s3+$0x0], $0xffff;
	v52 =	vor.u32 v14, v24;
	[tilespmem:v61+s14+$0x0] =	vst.idx.msk $0xffff, v23  }
0x8b: {  	v54 =	vor.u32 v14, v25;
	v55 =	vor.u32 v13, v26;
	v29 =	vld.idx.msk [tilespmem:v62+s3+$0x0], $0xffff;
	[tilespmem:v63+s14+$0x0] =	vst.idx.msk $0xffff, v22  }
0x8c: {  	v57 =	vor.u32 v13, v28;
	[tilespmem:v44+s14+$0x0] =	vst.idx.msk $0xffff, v45;
	v56 =	vor.u32 v14, v27;
	v22 =	vld.idx.msk [tilespmem:v46+s3+$0x0], $0xffff  }
0x8d: {  	v58 =	vor.u32 v15, v19;
	v17 =	vld.idx.msk [tilespmem:v17+s3+$0x0], $0xffff;
	v59 =	vor.u32 v14, v47;
	[tilespmem:v49+s14+$0x0] =	vst.idx.msk $0xffff, v48  }
0x8e: {  	v16 =	vor.u32 v15, v16;
	[tilespmem:v51+s14+$0x0] =	vst.idx.msk $0xffff, v40;
	v18 =	vld.idx.msk [tilespmem:v50+s3+$0x0], $0xffff  }
0x8f: {  	v60 =	vor.u32 v15, v20;
	v24 =	vld.idx.msk [tilespmem:v52+s3+$0x0], $0xffff;
	[tilespmem:v53+s14+$0x0] =	vst.idx.msk $0xffff, v32  }
0x90: {  	v61 =	vor.u32 v15, v21;
	v23 =	vld.idx.msk [tilespmem:v54+s3+$0x0], $0xffff;
	[tilespmem:v55+s14+$0x0] =	vst.idx.msk $0xffff, v29  }
0x91: {  	v62 =	vor.u32 v15, v26;
	v25 =	vld.idx.msk [tilespmem:v56+s3+$0x0], $0xffff;
	[tilespmem:v57+s14+$0x0] =	vst.idx.msk $0xffff, v22  }
0x92: {  	[tilespmem:v58+s14+$0x0] =	vst.idx.msk $0xffff, v17;
	v63 =	vor.u32 v15, v28;
	v17 =	vld.idx.msk [tilespmem:v59+s3+$0x0], $0xffff  }
0x93: {  	[tilespmem:v16+s14+$0x0] =	vst.idx.msk $0xffff, v18  }
0x94: {  	[tilespmem:v60+s14+$0x0] =	vst.idx.msk $0xffff, v24  }
0x95: {  	p1 =	sgt.u32 s21, $0x1E43;
	[tilespmem:v61+s14+$0x0] =	vst.idx.msk $0xffff, v23  }
0x96: {  	s23 =	sshll.u32 @!p1 s21, $0x7;
	s24 =	simm.s32 @!p1 $0x400;
	[tilespmem:v62+s14+$0x0] =	vst.idx.msk $0xffff, v25  }
0x97: {  	s25 =	simm.s32 @!p1 $0x7A1400;
	s26 =	simm.s32 @!p1 $0x0;
	s23 =	sadd.s32 @!p1 s23, s7;
	[tilespmem:v63+s14+$0x0] =	vst.idx.msk $0xffff, v17  }
0x98: {  	[tilespmem:s26], [sflag:$0x1] =	stream.strided.gather @!p1 [hbm4b:s23+s24], $0x1000, s25, s24, $0x38;
	[tilespmem:$0x4000] =	vst v63  }
0x99: {  	p1 =	sgt.u32 s22, $0x1E83  }
.Ltmp6:
0x9a: {  	_ = 	snop;
	(pc) =	sbr.rel @p1 .LBB2_9-.Ltmp6, $4  }
0x9b: {  	_ = 	snop  }
0x9c: {  	s31 =	sshll.u32 s21, $0x9  }
0x9d: {  	s23 =	sadd.s32 s2, s31  }
0x9e: {  	[hbm4b:s23+s3] =	stream.linear.scatter [tilespmem:s14], [sflag:$0x3], $0x1000, $0x38;
	[tilespmem:$0x4000] =	vst v63  }
0x9f: {  	s23 =	simm.s32 $0x0  }
0xa0: {  	v16 =	vadd.s32 s23, v0  }
0xa1: {  	s24 =	simm.s32 $0x1;
	s23 =	simm.s32 @!p0 $0x4;
	v23 =	vand.u32 $0x1F, v16  }
0xa2: {  	_ =	swait.ge @!p0 [sflag:s23], $0x1000;
	v16 =	vadd.s32 s24, v0;
	v27 =	vshll.u32 v23, $0x7  }
0xa3: {  	[sflag:s23] =	ssyncset.done @!p0 $0x0;
	v22 =	vand.u32 $0x1F, v16;
	v17 =	vor.u32 v0, v27  }
0xa4: {  	[sflag:s23] =	ssyncadd.s32 @!p0 $0xFFFFF000;
	v28 =	vshll.u32 v22, $0x7  }
0xa5: {  	_ =	swait.ge [sflag:s15], $0x1000;
	v16 =	vor.u32 v0, v28  }
0xa6: {  	[sflag:s15] =	ssyncset.done $0x0  }
0xa7: {  	[sflag:s15] =	ssyncadd.s32 $0xFFFFF000  }
0xa8: {  	v18 =	vor.u32 v1, v23;
	v17 =	vld.idx.msk [tilespmem:v17+s12+$0x0], $0xffff  }
0xa9: {  	v19 =	vor.u32 v2, v27  }
0xaa: {  	v20 =	vor.u32 v1, v22;
	v16 =	vld.idx.msk [tilespmem:v16+s12+$0x0], $0xffff  }
0xab: {  	v21 =	vor.u32 v2, v28;
	_ =	sdelay $0x1  }
0xac: {  	[tilespmem:v18+s16+$0x0] =	vst.idx.msk $0xffff, v17  }
0xad: {  	s26 =	simm.s32 $0x2;
	v24 =	vor.u32 v3, v23;
	v18 =	vld.idx.msk [tilespmem:v19+s12+$0x0], $0xffff  }
0xae: {  	v25 =	vor.u32 v4, v27;
	v17 =	vadd.s32 s26, v0;
	[tilespmem:v20+s16+$0x0] =	vst.idx.msk $0xffff, v16  }
0xaf: {  	s28 =	simm.s32 $0x3;
	v19 =	vand.u32 $0x1F, v17;
	v20 =	vld.idx.msk [tilespmem:v21+s12+$0x0], $0xffff;
	v21 =	vor.u32 v3, v22  }
0xb0: {  	v26 =	vor.u32 v4, v28;
	v16 =	vadd.s32 s28, v0;
	v17 =	vshll.u32 v19, $0x7  }
0xb1: {  	v16 =	vand.u32 $0x1F, v16;
	v29 =	vor.u32 v0, v17  }
0xb2: {  	[tilespmem:v24+s16+$0x0] =	vst.idx.msk $0xffff, v18;
	v18 =	vshll.u32 v16, $0x7  }
0xb3: {  	v24 =	vor.u32 v5, v23;
	v25 =	vld.idx.msk [tilespmem:v25+s12+$0x0], $0xffff;
	v30 =	vor.u32 v0, v18  }
0xb4: {  	[tilespmem:v21+s16+$0x0] =	vst.idx.msk $0xffff, v20  }
0xb5: {  	v20 =	vor.u32 v6, v27;
	v21 =	vld.idx.msk [tilespmem:v26+s12+$0x0], $0xffff;
	v26 =	vor.u32 v5, v22  }
0xb6: {  	v32 =	vor.u32 v6, v28;
	v31 =	vor.u32 v1, v19;
	v29 =	vld.idx.msk [tilespmem:v29+s12+$0x0], $0xffff  }
0xb7: {  	v33 =	vor.u32 v2, v17  }
0xb8: {  	[tilespmem:v24+s16+$0x0] =	vst.idx.msk $0xffff, v25;
	v24 =	vld.idx.msk [tilespmem:v30+s12+$0x0], $0xffff;
	v25 =	vor.u32 v1, v16  }
0xb9: {  	v30 =	vor.u32 v2, v18  }
0xba: {  	v35 =	vor.u32 v7, v23;
	v34 =	vld.idx.msk [tilespmem:v20+s12+$0x0], $0xffff;
	[tilespmem:v26+s16+$0x0] =	vst.idx.msk $0xffff, v21  }
0xbb: {  	v21 =	vor.u32 v8, v27;
	[tilespmem:v31+s16+$0x0] =	vst.idx.msk $0xffff, v29;
	v29 =	vor.u32 v7, v22;
	v26 =	vld.idx.msk [tilespmem:v32+s12+$0x0], $0xffff  }
0xbc: {  	s29 =	simm.s32 $0x4;
	v53 =	vor.u32 v9, v23;
	v52 =	vor.u32 v8, v28;
	v51 =	vor.u32 v3, v19;
	v31 =	vld.idx.msk [tilespmem:v33+s12+$0x0], $0xffff  }
0xbd: {  	v39 =	vor.u32 v10, v27;
	v63 =	vor.u32 v12, v27;
	v20 =	vadd.s32 s29, v0;
	[tilespmem:v25+s16+$0x0] =	vst.idx.msk $0xffff, v24  }
0xbe: {  	v36 =	vor.u32 v4, v17;
	v37 =	vor.u32 v3, v16;
	v20 =	vand.u32 $0x1F, v20;
	v30 =	vld.idx.msk [tilespmem:v30+s12+$0x0], $0xffff  }
0xbf: {  	s30 =	simm.s32 $0x5;
	v44 =	vor.u32 v11, v22;
	v54 =	vor.u32 v4, v18;
	v24 =	vshll.u32 v20, $0x7;
	[tilespmem:v35+s16+$0x0] =	vst.idx.msk $0xffff, v34  }
0xc0: {  	v38 =	vld.idx.msk [tilespmem:v21+s12+$0x0], $0xffff;
	[tilespmem:v29+s16+$0x0] =	vst.idx.msk $0xffff, v26;
	v26 =	vor.u32 v0, v24;
	v21 =	vadd.s32 s30, v0  }
0xc1: {  	[tilespmem:v51+s16+$0x0] =	vst.idx.msk $0xffff, v31;
	v31 =	vor.u32 v9, v22;
	v29 =	vld.idx.msk [tilespmem:v52+s12+$0x0], $0xffff;
	v21 =	vand.u32 $0x1F, v21  }
0xc2: {  	v57 =	vor.u32 v10, v28;
	v46 =	vor.u32 v12, v28;
	v25 =	vshll.u32 v21, $0x7  }
0xc3: {  	v55 =	vor.u32 v5, v19;
	v56 =	vld.idx.msk [tilespmem:v36+s12+$0x0], $0xffff;
	v40 =	vor.u32 v0, v25;
	[tilespmem:v37+s16+$0x0] =	vst.idx.msk $0xffff, v30  }
0xc4: {  	v58 =	vor.u32 v6, v17;
	v59 =	vor.u32 v5, v16;
	v49 =	vor.u32 v8, v17;
	v30 =	vld.idx.msk [tilespmem:v54+s12+$0x0], $0xffff  }
0xc5: {  	v61 =	vor.u32 v6, v18;
	v60 =	vor.u32 v1, v20;
	v41 =	vld.idx.msk [tilespmem:v26+s12+$0x0], $0xffff;
	[tilespmem:v53+s16+$0x0] =	vst.idx.msk $0xffff, v38  }
0xc6: {  	v42 =	vld.idx.msk [tilespmem:v39+s12+$0x0], $0xffff;
	[tilespmem:v31+s16+$0x0] =	vst.idx.msk $0xffff, v29;
	v29 =	vor.u32 v2, v24;
	v31 =	vor.u32 v11, v23  }
0xc7: {  	v50 =	vor.u32 v7, v16;
	v32 =	vor.u32 v13, v23;
	v33 =	vor.u32 v14, v27;
	v62 =	vld.idx.msk [tilespmem:v57+s12+$0x0], $0xffff  }
0xc8: {  	v43 =	vor.u32 v3, v20;
	v45 =	vor.u32 v1, v21;
	[tilespmem:v55+s16+$0x0] =	vst.idx.msk $0xffff, v56;
	v40 =	vld.idx.msk [tilespmem:v40+s12+$0x0], $0xffff  }
0xc9: {  	s31 =	simm.s32 $0x6;
	v47 =	vor.u32 v2, v25;
	v35 =	vld.idx.msk [tilespmem:v58+s12+$0x0], $0xffff;
	[tilespmem:v59+s16+$0x0] =	vst.idx.msk $0xffff, v30;
	v30 =	vor.u32 v7, v19  }
0xca: {  	v34 =	vor.u32 v14, v28;
	v26 =	vadd.s32 s31, v0;
	[tilespmem:v60+s16+$0x0] =	vst.idx.msk $0xffff, v41;
	v48 =	vld.idx.msk [tilespmem:v61+s12+$0x0], $0xffff  }
0xcb: {  	v38 =	vor.u32 v8, v18;
	v26 =	vand.u32 $0x1F, v26;
	v39 =	vld.idx.msk [tilespmem:v29+s12+$0x0], $0xffff;
	[tilespmem:v31+s16+$0x0] =	vst.idx.msk $0xffff, v42  }
0xcc: {  	v27 =	vshll.u32 v26, $0x7;
	v41 =	vor.u32 v4, v24;
	v36 =	vld.idx.msk [tilespmem:v63+s12+$0x0], $0xffff;
	[tilespmem:v44+s16+$0x0] =	vst.idx.msk $0xffff, v62  }
0xcd: {  	v29 =	vor.u32 v9, v19;
	v31 =	vor.u32 v5, v20;
	[tilespmem:v45+s16+$0x0] =	vst.idx.msk $0xffff, v40;
	v37 =	vld.idx.msk [tilespmem:v46+s12+$0x0], $0xffff  }
0xce: {  	v44 =	vor.u32 v3, v21;
	v40 =	vor.u32 v13, v22;
	v42 =	vld.idx.msk [tilespmem:v47+s12+$0x0], $0xffff;
	[tilespmem:v30+s16+$0x0] =	vst.idx.msk $0xffff, v35  }
0xcf: {  	s24 =	simm.s32 $0x7;
	s23 =	simm.s32 $0x8;
	v45 =	vor.u32 v4, v25;
	v30 =	vor.u32 v10, v17;
	v35 =	vld.idx.msk [tilespmem:v49+s12+$0x0], $0xffff;
	[tilespmem:v50+s16+$0x0] =	vst.idx.msk $0xffff, v48  }
.LBB2_7:
0xd0: {  	v28 =	vor.u32 v0, v27;
	v46 =	vadd.s32 s24, v0;
	[tilespmem:v43+s16+$0x0] =	vst.idx.msk $0xffff, v39;
	v47 =	vmov v18  }
0xd1: {  	p0 =	slt.u32 s23, $0x1E;
	v38 =	vld.idx.msk [tilespmem:v38+s12+$0x0], $0xffff;
	v18 =	vmovc v25;
	v39 =	vmovc v20;
	v20 =	vmov v26;
	v48 =	vmov v17;
	v17 =	vmov v24  }
0xd2: {  	v43 =	vor.u32 v9, v16;
	v24 =	vmov v27;
	v26 =	vand.u32 $0x1F, v46;
	v41 =	vld.idx.msk [tilespmem:v41+s12+$0x0], $0xffff;
	[tilespmem:v32+s16+$0x0] =	vst.idx.msk $0xffff, v36  }
0xd3: {  	v27 =	vor.u32 v10, v47;
	v25 =	vshll.u32 v26, $0x7;
	v32 =	vld.idx.msk [tilespmem:v33+s12+$0x0], $0xffff;
	[tilespmem:v40+s16+$0x0] =	vst.idx.msk $0xffff, v37  }
0xd4: {  	v36 =	vor.u32 v15, v23;
	v33 =	vor.u32 v0, v25;
	[tilespmem:v44+s16+$0x0] =	vst.idx.msk $0xffff, v42;
	v34 =	vld.idx.msk [tilespmem:v34+s12+$0x0], $0xffff  }
0xd5: {  	v23 =	vmovc v19;
	v40 =	vor.u32 v15, v22;
	v22 =	vmovc v16;
	v16 =	vmov v21;
	v21 =	vmov v26;
	v37 =	vld.idx.msk [tilespmem:v45+s12+$0x0], $0xffff  }
0xd6: {  	v19 =	vor.u32 v6, v17;
	v42 =	vor.u32 v5, v16;
	v28 =	vld.idx.msk [tilespmem:v28+s12+$0x0], $0xffff;
	[tilespmem:v29+s16+$0x0] =	vst.idx.msk $0xffff, v35  }
0xd7: {  	v29 =	vor.u32 v1, v20;
	v35 =	vor.u32 v6, v18;
	v30 =	vld.idx.msk [tilespmem:v30+s12+$0x0], $0xffff;
	[tilespmem:v43+s16+$0x0] =	vst.idx.msk $0xffff, v38  }
0xd8: {  	v38 =	vor.u32 v2, v24;
	[tilespmem:v31+s16+$0x0] =	vst.idx.msk $0xffff, v41;
	v31 =	vor.u32 v11, v23;
	v27 =	vld.idx.msk [tilespmem:v27+s12+$0x0], $0xffff  }
0xd9: {  	v44 =	vor.u32 v11, v22;
	v41 =	vor.u32 v12, v48;
	v33 =	vld.idx.msk [tilespmem:v33+s12+$0x0], $0xffff;
	[tilespmem:v36+s16+$0x0] =	vst.idx.msk $0xffff, v32  }
0xda: {  	v46 =	vor.u32 v12, v47;
	v26 =	vadd.s32 s23, v0;
	v45 =	vor.u32 v1, v21;
	[tilespmem:v40+s16+$0x0] =	vst.idx.msk $0xffff, v34  }
0xdb: {  	v26 =	vand.u32 $0x1F, v26;
	v34 =	vor.u32 v2, v25;
	v49 =	vld.idx.msk [tilespmem:v19+s12+$0x0], $0xffff;
	[tilespmem:v42+s16+$0x0] =	vst.idx.msk $0xffff, v37;
	v19 =	vmov v39  }
0xdc: {  	v32 =	vor.u32 v13, v23;
	[tilespmem:v29+s16+$0x0] =	vst.idx.msk $0xffff, v28;
	v28 =	vor.u32 v7, v19;
	v50 =	vld.idx.msk [tilespmem:v35+s12+$0x0], $0xffff  }
0xdd: {  	v51 =	vor.u32 v7, v16;
	v35 =	vor.u32 v8, v17;
	v39 =	vld.idx.msk [tilespmem:v38+s12+$0x0], $0xffff;
	[tilespmem:v31+s16+$0x0] =	vst.idx.msk $0xffff, v30  }
.Ltmp7:
0xde: {  	v43 =	vor.u32 v3, v20;
	v38 =	vor.u32 v8, v18;
	v36 =	vld.idx.msk [tilespmem:v41+s12+$0x0], $0xffff;
	[tilespmem:v44+s16+$0x0] =	vst.idx.msk $0xffff, v27;
	(pc) =	sbr.rel @p0 .LBB2_7-.Ltmp7, $4  }
0xdf: {  	v29 =	vor.u32 v9, v19;
	v41 =	vor.u32 v4, v24;
	[tilespmem:v45+s16+$0x0] =	vst.idx.msk $0xffff, v33;
	v37 =	vld.idx.msk [tilespmem:v46+s12+$0x0], $0xffff  }
0xe0: {  	v40 =	vor.u32 v13, v22;
	v31 =	vor.u32 v5, v20;
	v33 =	vor.u32 v14, v48;
	v42 =	vld.idx.msk [tilespmem:v34+s12+$0x0], $0xffff  }
0xe1: {  	v27 =	vshll.u32 v26, $0x7;
	v44 =	vor.u32 v3, v21;
	v34 =	vor.u32 v14, v47;
	[tilespmem:v28+s16+$0x0] =	vst.idx.msk $0xffff, v49  }
0xe2: {  	s24 =	sadd.s32 $0x1, s23;
	s23 =	sadd.s32 $0x2, s23;
	v30 =	vor.u32 v10, v17;
	v45 =	vor.u32 v4, v25;
	v35 =	vld.idx.msk [tilespmem:v35+s12+$0x0], $0xffff;
	[tilespmem:v51+s16+$0x0] =	vst.idx.msk $0xffff, v50  }
0xe3: {  	v28 =	vadd.s32 s24, v0  }
0xe4: {  	v28 =	vand.u32 $0x1F, v28  }
0xe5: {  	v46 =	vor.u32 v0, v27;
	v47 =	vshll.u32 v28, $0x7  }
0xe6: {  	v48 =	vor.u32 v0, v47;
	_ =	sdelay $0x3  }
0xe7: {  	v49 =	vor.u32 v1, v26;
	v46 =	vld.idx.msk [tilespmem:v46+s12+$0x0], $0xffff  }
0xe8: {  	v50 =	vor.u32 v2, v27;
	v51 =	vor.u32 v1, v28;
	v48 =	vld.idx.msk [tilespmem:v48+s12+$0x0], $0xffff  }
0xe9: {  	v52 =	vor.u32 v2, v47;
	_ =	sdelay $0x2  }
0xea: {  	[tilespmem:v49+s16+$0x0] =	vst.idx.msk $0xffff, v46  }
0xeb: {  	v59 =	vor.u32 v3, v26;
	v46 =	vld.idx.msk [tilespmem:v50+s12+$0x0], $0xffff;
	[tilespmem:v51+s16+$0x0] =	vst.idx.msk $0xffff, v48  }
0xec: {  	v60 =	vor.u32 v4, v27;
	v62 =	vor.u32 v3, v28;
	v61 =	vld.idx.msk [tilespmem:v52+s12+$0x0], $0xffff  }
0xed: {  	v63 =	vor.u32 v4, v47  }
0xee: {  	[tilespmem:v43+s16+$0x0] =	vst.idx.msk $0xffff, v39  }
0xef: {  	v39 =	vld.idx.msk [tilespmem:v41+s12+$0x0], $0xffff;
	[tilespmem:v44+s16+$0x0] =	vst.idx.msk $0xffff, v42  }
0xf0: {  	v56 =	vor.u32 v6, v24;
	v57 =	vor.u32 v5, v21;
	v55 =	vld.idx.msk [tilespmem:v45+s12+$0x0], $0xffff;
	[tilespmem:v59+s16+$0x0] =	vst.idx.msk $0xffff, v46  }
0xf1: {  	v58 =	vor.u32 v6, v25;
	v59 =	vor.u32 v5, v26;
	v46 =	vld.idx.msk [tilespmem:v60+s12+$0x0], $0xffff;
	[tilespmem:v62+s16+$0x0] =	vst.idx.msk $0xffff, v61  }
0xf2: {  	[tilespmem:v32+s16+$0x0] =	vst.idx.msk $0xffff, v36;
	v61 =	vor.u32 v6, v27;
	v62 =	vor.u32 v5, v28;
	v60 =	vld.idx.msk [tilespmem:v63+s12+$0x0], $0xffff  }
0xf3: {  	[tilespmem:v40+s16+$0x0] =	vst.idx.msk $0xffff, v37;
	v63 =	vor.u32 v6, v47  }
0xf4: {  	v23 =	vor.u32 v15, v23;
	v33 =	vld.idx.msk [tilespmem:v33+s12+$0x0], $0xffff;
	[tilespmem:v31+s16+$0x0] =	vst.idx.msk $0xffff, v39  }
0xf5: {  	v39 =	vld.idx.msk [tilespmem:v56+s12+$0x0], $0xffff;
	[tilespmem:v57+s16+$0x0] =	vst.idx.msk $0xffff, v55;
	v51 =	vor.u32 v7, v20  }
0xf6: {  	v53 =	vor.u32 v7, v21;
	v41 =	vld.idx.msk [tilespmem:v58+s12+$0x0], $0xffff;
	v52 =	vor.u32 v8, v24;
	[tilespmem:v59+s16+$0x0] =	vst.idx.msk $0xffff, v46  }
0xf7: {  	v54 =	vor.u32 v8, v25;
	v55 =	vor.u32 v7, v26;
	v36 =	vld.idx.msk [tilespmem:v61+s12+$0x0], $0xffff;
	[tilespmem:v62+s16+$0x0] =	vst.idx.msk $0xffff, v60  }
0xf8: {  	[tilespmem:v29+s16+$0x0] =	vst.idx.msk $0xffff, v35;
	v57 =	vor.u32 v8, v27;
	v58 =	vor.u32 v7, v28;
	v56 =	vld.idx.msk [tilespmem:v63+s12+$0x0], $0xffff  }
0xf9: {  	[tilespmem:v23+s16+$0x0] =	vst.idx.msk $0xffff, v33;
	v49 =	vld.idx.msk [tilespmem:v38+s12+$0x0], $0xffff;
	v50 =	vor.u32 v9, v16;
	v59 =	vor.u32 v8, v47  }
0xfa: {  	v22 =	vor.u32 v15, v22;
	v34 =	vld.idx.msk [tilespmem:v34+s12+$0x0], $0xffff;
	[tilespmem:v51+s16+$0x0] =	vst.idx.msk $0xffff, v39  }
0xfb: {  	[tilespmem:v53+s16+$0x0] =	vst.idx.msk $0xffff, v41;
	v40 =	vld.idx.msk [tilespmem:v52+s12+$0x0], $0xffff;
	v61 =	vor.u32 v9, v20;
	v60 =	vor.u32 v10, v18  }
0xfc: {  	v45 =	vor.u32 v9, v21;
	v62 =	vor.u32 v10, v24;
	v63 =	vld.idx.msk [tilespmem:v54+s12+$0x0], $0xffff;
	[tilespmem:v55+s16+$0x0] =	vst.idx.msk $0xffff, v36  }
0xfd: {  	v48 =	vor.u32 v9, v26;
	v46 =	vor.u32 v10, v25;
	v35 =	vld.idx.msk [tilespmem:v57+s12+$0x0], $0xffff;
	[tilespmem:v58+s16+$0x0] =	vst.idx.msk $0xffff, v56  }
0xfe: {  	[tilespmem:v50+s16+$0x0] =	vst.idx.msk $0xffff, v49;
	v49 =	vor.u32 v10, v27;
	v50 =	vor.u32 v9, v28;
	v29 =	vld.idx.msk [tilespmem:v59+s12+$0x0], $0xffff  }
0xff: {  	v30 =	vld.idx.msk [tilespmem:v30+s12+$0x0], $0xffff;
	[tilespmem:v22+s16+$0x0] =	vst.idx.msk $0xffff, v34;
	v51 =	vor.u32 v11, v19;
	v52 =	vor.u32 v10, v47  }
0x100: {  	v54 =	vor.u32 v12, v17;
	v55 =	vor.u32 v11, v16;
	[tilespmem:v61+s16+$0x0] =	vst.idx.msk $0xffff, v40;
	v53 =	vld.idx.msk [tilespmem:v60+s12+$0x0], $0xffff  }
0x101: {  	v40 =	vld.idx.msk [tilespmem:v62+s12+$0x0], $0xffff;
	v57 =	vor.u32 v11, v20;
	v56 =	vor.u32 v12, v18;
	[tilespmem:v45+s16+$0x0] =	vst.idx.msk $0xffff, v63  }
0x102: {  	v58 =	vor.u32 v12, v24;
	v32 =	vld.idx.msk [tilespmem:v46+s12+$0x0], $0xffff;
	v59 =	vor.u32 v11, v21;
	[tilespmem:v48+s16+$0x0] =	vst.idx.msk $0xffff, v35  }
0x103: {  	v61 =	vor.u32 v11, v26;
	v60 =	vor.u32 v12, v25;
	v23 =	vld.idx.msk [tilespmem:v49+s12+$0x0], $0xffff;
	[tilespmem:v50+s16+$0x0] =	vst.idx.msk $0xffff, v29  }
0x104: {  	[tilespmem:v51+s16+$0x0] =	vst.idx.msk $0xffff, v30;
	v62 =	vor.u32 v12, v27;
	v63 =	vor.u32 v11, v28;
	v22 =	vld.idx.msk [tilespmem:v52+s12+$0x0], $0xffff  }
0x105: {  	v44 =	vor.u32 v13, v19;
	v45 =	vld.idx.msk [tilespmem:v54+s12+$0x0], $0xffff;
	v46 =	vor.u32 v12, v47;
	[tilespmem:v55+s16+$0x0] =	vst.idx.msk $0xffff, v53  }
0x106: {  	v17 =	vor.u32 v14, v17;
	[tilespmem:v57+s16+$0x0] =	vst.idx.msk $0xffff, v40;
	v48 =	vld.idx.msk [tilespmem:v56+s12+$0x0], $0xffff;
	v49 =	vor.u32 v13, v16  }
0x107: {  	v51 =	vor.u32 v13, v20;
	v40 =	vld.idx.msk [tilespmem:v58+s12+$0x0], $0xffff;
	v50 =	vor.u32 v14, v18;
	[tilespmem:v59+s16+$0x0] =	vst.idx.msk $0xffff, v32  }
0x108: {  	v53 =	vor.u32 v13, v21;
	v32 =	vld.idx.msk [tilespmem:v60+s12+$0x0], $0xffff;
	v52 =	vor.u32 v14, v24;
	[tilespmem:v61+s16+$0x0] =	vst.idx.msk $0xffff, v23  }
0x109: {  	v54 =	vor.u32 v14, v25;
	v55 =	vor.u32 v13, v26;
	v29 =	vld.idx.msk [tilespmem:v62+s12+$0x0], $0xffff;
	[tilespmem:v63+s16+$0x0] =	vst.idx.msk $0xffff, v22  }
0x10a: {  	v57 =	vor.u32 v13, v28;
	[tilespmem:v44+s16+$0x0] =	vst.idx.msk $0xffff, v45;
	v56 =	vor.u32 v14, v27;
	v22 =	vld.idx.msk [tilespmem:v46+s12+$0x0], $0xffff  }
0x10b: {  	v58 =	vor.u32 v15, v19;
	v17 =	vld.idx.msk [tilespmem:v17+s12+$0x0], $0xffff;
	v59 =	vor.u32 v14, v47;
	[tilespmem:v49+s16+$0x0] =	vst.idx.msk $0xffff, v48  }
0x10c: {  	v16 =	vor.u32 v15, v16;
	[tilespmem:v51+s16+$0x0] =	vst.idx.msk $0xffff, v40;
	v18 =	vld.idx.msk [tilespmem:v50+s12+$0x0], $0xffff  }
0x10d: {  	v60 =	vor.u32 v15, v20;
	v24 =	vld.idx.msk [tilespmem:v52+s12+$0x0], $0xffff;
	[tilespmem:v53+s16+$0x0] =	vst.idx.msk $0xffff, v32  }
0x10e: {  	v61 =	vor.u32 v15, v21;
	v23 =	vld.idx.msk [tilespmem:v54+s12+$0x0], $0xffff;
	[tilespmem:v55+s16+$0x0] =	vst.idx.msk $0xffff, v29  }
0x10f: {  	v62 =	vor.u32 v15, v26;
	v25 =	vld.idx.msk [tilespmem:v56+s12+$0x0], $0xffff;
	[tilespmem:v57+s16+$0x0] =	vst.idx.msk $0xffff, v22  }
0x110: {  	[tilespmem:v58+s16+$0x0] =	vst.idx.msk $0xffff, v17;
	v63 =	vor.u32 v15, v28;
	v17 =	vld.idx.msk [tilespmem:v59+s12+$0x0], $0xffff  }
0x111: {  	[tilespmem:v16+s16+$0x0] =	vst.idx.msk $0xffff, v18  }
0x112: {  	[tilespmem:v60+s16+$0x0] =	vst.idx.msk $0xffff, v24  }
0x113: {  	p0 =	sgt.u32 s21, $0x1E23;
	s31 =	sshll.u32 s22, $0x9;
	[tilespmem:v61+s16+$0x0] =	vst.idx.msk $0xffff, v23  }
.Ltmp8:
0x114: {  	s21 =	sshll.u32 @!p0 s21, $0x7;
	s23 =	simm.s32 @!p0 $0x400;
	[tilespmem:v62+s16+$0x0] =	vst.idx.msk $0xffff, v25;
	(pc) =	sbr.rel .LBB2_9-.Ltmp8, $4  }
0x115: {  	s24 =	simm.s32 @!p0 $0x7A1400;
	s25 =	simm.s32 @!p0 $0x1000;
	s21 =	sadd.s32 @!p0 s21, s8;
	[tilespmem:v63+s16+$0x0] =	vst.idx.msk $0xffff, v17  }
0x116: {  	[tilespmem:s25], [sflag:$0x2] =	stream.strided.gather @!p0 [hbm4b:s21+s23], $0x1000, s24, s23, $0x38;
	[tilespmem:$0x4000] =	vst v63  }
0x117: {  	s21 =	sadd.s32 s2, s31  }
0x118: {  	[hbm4b:s21+s3] =	stream.linear.scatter [tilespmem:s16], [sflag:$0x4], $0x1000, $0x38;
	[tilespmem:$0x4000] =	vst v63  }
.LBB2_11:
0x119: {  	_ =	sfence.sel $0x180000  }
0x11a: {  	[bflag:$0x0] =	sbarrier.arrive $0xFFFF  }
0x11b: {  	p0 =	sne.s32 s0, $0x0;
	_ =	strace $0x90000047  }
0x11c: {  	s0 =	sadd.s32 @!p0 $0x100000, s1;
	[bflag:$0x2] =	sbarrier.arrive $0xFFFF  }
0x11d: {  	[sflag:s0] =	ssyncadd.tile.s32 @!p0 $0x1;
	_ =	shalt  }
.Lfunc_end2:
_tile_overlayer_lowered:
.L_overlay_start_2:
0x11e: {  	(tag) =	ssettag $0x2  }
0x11f: {  	s0 =	rddreg [dreg:$0x0];
	s2 =	stileid.u32  }
0x120: {  	s1 =	rddreg [dreg:$0x1];
	p0 =	sne.s32 s2, $0x0  }
0x121: {  	s3 =	rddreg [dreg:$0x2];
	[bflag:$0x3] =	sbarrier.arrive $0xFFFF;
	s2 =	simm.s32 @!p0 $0x1C05  }
0x122: {  	[timem:s3], [sflag:s2] =	dma.local @!p0 [hbm:s0], s1  }
0x123: {  	s0 =	simm.s32 @!p0 $0x5  }
0x124: {  	_ =	swait.ge @!p0 [sflag:s0], s1  }
0x125: {  	s1 =	ssub.s32 @!p0 $0x0, s1;
	[sflag:s0] =	ssyncset.done @!p0 $0x0  }
0x126: {  	[sflag:s0] =	ssyncadd.s32 @!p0 s1  }
0x127: {  	[bflag:$0x3] =	sbarrier.arrive $0xFFFF  }
0x128: {  	_ =	shalt  }

// kernel: sparse-core-data-format-call.cloned.1.call-start
scs
called_computation_lowered:
.L_overlay_start_0:
0x0: {  	s2 =	sld [smem:$0x3FD9]  }
0x1: {  	s3 =	sld [smem:$0x3FFE];
	_ =	sdelay $0x1  }
0x2: {  	s1 =	srdreg.scid  }
0x3: {  	s0 =	sand.u32 $0x1, s1  }
0x4: {  	s18 =	sshll.u32 s0, $0xA;
	s2 =	sadd.s32 s3, s2  }
0x5: {  	s2 =	sadd.s32 s2, s18  }
0x6: {  	[smem:$0x3FC7] =	sst s2  }
0x7: {  	_ = 	snop  }
0x8: {  	s2 =	sld [smem:$0x3FD0];
	(tm) =	ssettm $0x1  }
0x9: {  	s19 =	sld [smem:$0x3FFB];
	_ =	sdelay $0x3  }
0xa: {  	_ =	strace s19  }
0xb: {  	s3 =	sld [smem:$0x3FFC];
	_ =	sdelay $0x3  }
0xc: {  	_ =	strace s3  }
0xd: {  	s3 =	sld [smem:$0x3FFD];
	_ =	sdelay $0x3  }
0xe: {  	_ =	strace s3  }
0xf: {  	_ =	strace $0x8FFFFFFF  }
0x10: {  	s20 =	sld [smem:$0x3FDB];
	_ =	sdelay $0x1  }
0x11: {  	s4 =	simm.s32 $_scs_section_size  }
0x12: {  	s5 =	simm.s32 $_size__tile_overlayer_lowered;
	s6 =	simm.s32 $_tile_overlayer_lowered  }
0x13: {  	s23 =	simm.s32 $0x1BFF;
	s22 =	sshll.u32 s6, $0x1;
	s3 =	sadd.s32 s4, s20  }
0x14: {  	s7 =	simm.s32 $0x0;
	s21 =	sshll.u32 s5, $0x1;
	s5 =	sadd.s32 s22, s3  }
0x15: {  	[timem:s7], [sflag:s23] =	dma.local [hbm:s5], s21  }
0x16: {  	_ =	swait.ge [sflag:s23], s21  }
0x17: {  	s4 =	ssub.s32 $0x0, s21;
	[sflag:s23] =	ssyncset.done $0x0  }
0x18: {  	[sflag:s23] =	ssyncadd.s32 s4;
	_ =	sdelay $0x1  }
0x19: {  	s24 =	simm.s32 $0x1B8B  }
0x1a: {  	_ =	swait.ge [sflag:s24], $0x1  }
0x1b: {  	[sflag:s24] =	ssyncset.done $0x0  }
0x1c: {  	s26 =	simm.s32 $0x1B8E;
	s25 =	sld [smem:$0x3FFE];
	[sflag:s24] =	ssyncadd.s32 $0xFFFFFFFF  }
0x1d: {  	s27 =	simm.s32 $execute0_lowered;
	[smem:$0x3FD2] =	sst s26  }
0x1e: {  	s5 =	sshll.u32 s27, $0x1;
	_ =	strace $0x80000049;
	[dreg:$0x1] =	wrdreg $0xFFFFFFFF  }
0x1f: {  	s28 =	simm.s32 $_size_execute0_lowered;
	s3 =	sadd.s32 s3, s5;
	[dreg:$0x0] =	wrdreg $0x0  }
0x20: {  	s5 =	sshll.u32 s28, $0x1;
	[dreg:$0x2] =	wrdreg s3  }
0x21: {  	[dreg:$0x3] =	wrdreg s5  }
0x22: {  	[dreg:$0x4] =	wrdreg $0xC0  }
0x23: {  	_ =	task [dreg:s7], $0x5FFFF  }
0x24: {  	[dreg:$0x1] =	wrdreg $0xFFFFFFFF  }
0x25: {  	[dreg:$0x0] =	wrdreg $0x60  }
0x26: {  	[dreg:$0x2] =	wrdreg s25  }
0x27: {  	[dreg:$0x3] =	wrdreg s2  }
0x28: {  	[dreg:$0x4] =	wrdreg $0x9  }
0x29: {  	_ =	task.clear_ibuf [dreg:s7], $0x5FFFF;
	_ =	strace $0x90000049  }
0x2a: {  	s29 =	simm.s32 $0x9;
	_ =	strace $0x8000004B  }
0x2b: {  	_ =	swait.ge [sflag:s29], $0x1  }
0x2c: {  	[sflag:s29] =	ssyncadd.s32 $0xFFFFFFFF  }
0x2d: {  	_ =	strace $0x9000004B  }
0x2e: {  	_ =	sfence  }
0x2f: {  	s30 =	sld [smem:$0x0];
	_ =	sdelay $0x2  }
0x30: {  	s31 =	sshll.u32 s1, $0xD;
	s1 =	sshrl.u32 s1, $0x2  }
0x31: {  	s3 =	sand.u32 $0x4000, s31;
	s1 =	sadd.s32 s1, s30  }
0x32: {  	s0 =	sor.u32 s3, s0;
	s1 =	sshll.u32 s1, $0x11  }
0x33: {  	s0 =	sor.u32 s1, s0  }
0x34: {  	s0 =	sadd.s32 $0x8F2B, s0  }
0x35: {  	[sflag:s0] =	ssyncadd.remote.s32 $0x1  }
0x36: {  	_ =	sfence.sel $0xFFFF  }
0x37: {  	[dreg:$0x0] =	wrdreg $0xFFFFFFFF;
	(pc) =	sbr.abs _section_cstart, $3  }
0x38: {  	[dreg:$0x1] =	wrdreg $0xFFFFFFFF  }
0x39: {  	_ =	task.clear_ibuf [dreg:s7], $0x2FFFF;
	_ =	strace $0x9FFFFFFF  }
0x3a: {  	(tm) =	ssettm $0x7FFFFFFF  }
0x3b: {  	_ =	shalt  }
tec
execute0_lowered:
.L_overlay_start_1:
0x0: {  	(tag) =	ssettag $0x1  }
0x1: {  	s4 =	rddreg [dreg:$0x0]  }
0x2: {  	s0 =	srdreg.scid;
	s2 =	rddreg [dreg:$0x1]  }
0x3: {  	s1 =	stileid.u32;
	s5 =	simm.s32 $0x1;
	s0 =	sshll.u32 s0, $0x4  }
0x4: {  	s7 =	simm.s32 $0x2;
	s11 =	simm.s32 $0x0;
	s3 =	sand.u32 $0x10, s0  }
.Ltmp0:
0x5: {  	p0 =	por $0x0, $0x0;
	s3 =	sor.u32 s1, s3;
	(pc) =	sbr.rel .LBB1_1-.Ltmp0, $4  }
0x6: {  	s8 =	simm.s32 $0x7A1400;
	s10 =	simm.s32 $0x0;
	s3 =	sshll.u32 s3, $0x7  }
0x7: {  	s0 =	rddreg [dreg:$0x2];
	_ =	strace $0x8000004A;
	s6 =	ssub.s32 $0xF4200, s3  }
0x8: {  	s4 =	sadd.s32 $0x800, s4;
	[sflag:s5] =	ssyncpa.u1 $0x0;
	s6 =	sshrl.u32 s6, $0xC  }
0x9: {  	[sflag:s7] =	ssyncpa.u1 $0x0;
	s9 =	smov.u32 s3;
	s7 =	sadd.s32 $0x2, s6  }
.LBB1_5:
0xa: {  	s13 =	sadd.s32 $0x1000, s9  }
0xb: {  	p2 =	sgt.s32 s13, $0xF423F  }
0xc: {  	s13 =	smov.u32 @p2 s3;
	p2 =	sne.s32 s10, s7  }
.Ltmp1:
0xd: {  	p1 =	slt.u32 s10, $0x2;
	(pc) =	sbr.rel @!p2 .LBB1_6-.Ltmp1, $4  }
0xe: {  	s12 =	simm.s32 @!p1 $0x2  }
0xf: {  	s14 =	sadd.s32 $0x1, s10;
	_ =	swait.ge @!p1 [sflag:s12], $0x1000  }
0x10: {  	s11 =	smov.u32 s9;
	p0 =	por !p0, !p0;
	[sflag:s12] =	ssyncset.done @!p1 $0x0  }
0x11: {  	s10 =	smov.u32 s14;
	s9 =	smov.u32 s13;
	[sflag:s12] =	ssyncadd.s32 @!p1 $0xFFFFF000  }
.LBB1_1:
0x12: {  	p1 =	sgt.u32 s10, s6  }
0x13: {  	s13 =	smov.u32 s9;
	p2 =	sgt.s32 @!p1 s9, $0xF41C0  }
0x14: {  	s12 =	sand.u32 @!p1 $0x1FFFFFF, s9;
	s14 =	sshra.s32 @!p1 s9, $0x1F;
	p2 =	por !p2, p1  }
0x15: {  	s15 =	smulhi.u32 @!p1 $0x218DEF5, s12;
	s14 =	sand.u32 @!p1 s14, s9;
	s13 =	simm.s32 @p2 $0xF41C0  }
0x16: {  	s13 =	ssub.s32 @!p1 s13, s14  }
0x17: {  	s14 =	sshrl.u32 @!p1 s15, $0xD;
	s13 =	sadd.s32 @!p1 $0xFFF0BE40, s13  }
0x18: {  	s15 =	sxor.u32 @!p1 $0xFFFFFFFF, s10;
	s14 =	smul.u32 @!p1 $0xF4240, s14;
	s16 =	sshll.u32 @!p1 s13, $0x7  }
0x19: {  	s15 =	sshll.u32 @!p1 s15, $0xC;
	p2 =	sgt.s32 @!p1 s13, $0x7F;
	s13 =	ssub.s32 @!p1 $0x4000, s16  }
0x1a: {  	s12 =	ssub.s32 @!p1 s12, s14;
	p2 =	por !p2, p1;
	s14 =	sand.u32 @!p1 $0x1000, s15  }
0x1b: {  	s15 =	simm.s32 @!p1 $0x20;
	s13 =	sshrl.u32 @!p1 s13, $0x2;
	s12 =	sshll.u32 @!p1 s12, $0x4  }
0x1c: {  	s16 =	simm.s32 @!p1 $0x80;
	s13 =	simm.s32 @!p2 $0x0;
	s12 =	sadd.s32 @!p1 s4, s12  }
0x1d: {  	[tilespmem:s14], [sflag:$0x1] =	stream.strided.gather @!p1 [hbm4b:s12+s15], s13, s16, s15, $0x38;
	[tilespmem:$0x4040] =	vst v63  }
0x1e: {  	p1 =	seq.s32 s10, $0x0  }
0x1f: {  	p2 =	sge.u32 @!p1 s10, s7  }
0x20: {  	p1 =	por p1, p2  }
.Ltmp2:
0x21: {  	_ = 	snop;
	(pc) =	sbr.rel @p1 .LBB1_5-.Ltmp2, $1  }
0x22: {  	_ =	sdelay $0x3  }
0x23: {  	p1 =	sgt.s32 s11, $0xF41C0;
	s12 =	smov.u32 s11;
	s13 =	sshra.s32 s11, $0x1F  }
0x24: {  	s12 =	simm.s32 @!p1 $0xF41C0;
	s13 =	sand.u32 s13, s11  }
0x25: {  	s12 =	ssub.s32 s12, s13  }
0x26: {  	s12 =	sadd.s32 $0xFFF0BE40, s12  }
0x27: {  	s28 =	sshll.u32 s12, $0x7  }
0x28: {  	s13 =	ssub.s32 $0x4000, s28  }
0x29: {  	p1 =	sgt.s32 s12, $0x7F;
	s12 =	sshrl.u32 s13, $0x2  }
0x2a: {  	s13 =	simm.s32 $0x1;
	s12 =	simm.s32 @p1 $0x0  }
0x2b: {  	s13 =	simm.s32 @!p0 $0x0;
	_ =	swait.ge [sflag:s5], s12  }
0x2c: {  	s14 =	sshll.u32 s13, $0xC;
	s12 =	ssub.s32 $0x0, s12;
	[sflag:s5] =	ssyncset.done $0x0  }
0x2d: {  	s16 =	sor.u32 $0x10, s14;
	[sflag:s5] =	ssyncadd.s32 s12  }
0x2e: {  	s29 =	smul.u32 $0x4080, s13;
	v1 =	vld [tilespmem:s16+$0x0]  }
0x2f: {  	s30 =	sand.u32 $0x1, s10;
	v0 =	vld [tilespmem:s16+$0xFFFFFFF0]  }
0x30: {  	s13 =	smul.u32 $0x4080, s30;
	s12 =	sshrl.u32 s29, $0x2  }
0x31: {  	s14 =	sor.u32 $0x2000, s12  }
0x32: {  	s31 =	sshrl.u32 s13, $0x2;
	s13 =	sadd.s32 $0x0, s14  }
0x33: {  	s15 =	simm.s32 $0x4;
	s12 =	sor.u32 $0x2000, s31;
	s16 =	sadd.s32 $0x20, s16;
	[tilespmem:s13+$0x810 ss:$0x81] =	vst.msk $0xffff, v1  }
.LBB1_3:
0x34: {  	v1 =	vld [tilespmem:s16+$0x0];
	p1 =	sne.s32 s15, $0x1FC;
	[tilespmem:s13+$0x0 ss:$0x81] =	vst.msk $0xffff, v0;
	s13 =	smov.u32 s15;
	s15 =	sadd.s32 $0x4, s15  }
.Ltmp3:
0x35: {  	v0 =	vld [tilespmem:s16+$0xFFFFFFF0];
	(pc) =	sbr.rel @p1 .LBB1_3-.Ltmp3, $4  }
0x36: {  	_ = 	snop  }
0x37: {  	s13 =	sshra.s32 s13, $0x2  }
0x38: {  	s13 =	sadd.s32 s13, s14  }
0x39: {  	s16 =	sadd.s32 $0x20, s16;
	[tilespmem:s13+$0x810 ss:$0x81] =	vst.msk $0xffff, v1  }
0x3a: {  	s14 =	sshll.u32 s11, $0x3  }
0x3b: {  	s30 =	sand.u32 $0x7F, s11;
	s14 =	sand.u32 $0xFFFFFC00, s14  }
0x3c: {  	s11 =	sor.u32 s30, s14  }
0x3d: {  	s15 =	smulhi.u32 $0x218D6287, s11;
	_ =	sdelay $0x1  }
0x3e: {  	s14 =	smulhi.u32 $0x218D6287, s14;
	s15 =	sshrl.u32 s15, $0x11  }
0x3f: {  	s15 =	smul.u32 $0xF4280, s15  }
0x40: {  	s14 =	sshrl.u32 s14, $0x11  }
.Ltmp4:
0x41: {  	s14 =	sand.u32 $0x1F, s14;
	s11 =	ssub.s32 s11, s15;
	(pc) =	sbr.rel .LBB1_5-.Ltmp4, $4  }
0x42: {  	s14 =	smul.u32 $0x1E850, s14;
	s15 =	sshrl.u32 s11, $0x3;
	s11 =	sand.u32 $0x7, s11  }
0x43: {  	s15 =	sadd.s32 s2, s15;
	s11 =	sshll.u32 s11, $0x12  }
0x44: {  	[tilespmem:s13+$0x0 ss:$0x81] =	vst.msk $0xffff, v0;
	s31 =	sadd.s32 s14, s15;
	s11 =	sor.u32 $0x400, s11  }
0x45: {  	[hbm4b:s31+s11] =	stream.strided.scatter [tilespmem:s12], [sflag:$0x2], $0x1000, s8, s11, $0x20;
	[tilespmem:$0x4040] =	vst v63  }
.LBB1_6:
0x46: {  	_ =	sfence.sel $0x180000  }
0x47: {  	s2 =	simm.s32 $0x1;
	[bflag:$0x0] =	sbarrier.arrive $0xFFFF  }
0x48: {  	s31 =	simm.s32 $0x2;
	[sflag:s2] =	ssyncpa.u1 $0x1  }
0x49: {  	[sflag:s31] =	ssyncpa.u1 $0x1  }
0x4a: {  	p0 =	sne.s32 s1, $0x0;
	_ =	strace $0x9000004A  }
0x4b: {  	s0 =	sadd.s32 @!p0 $0x100000, s0;
	[bflag:$0x2] =	sbarrier.arrive $0xFFFF  }
0x4c: {  	[sflag:s0] =	ssyncadd.tile.s32 @!p0 $0x1;
	_ =	shalt  }
.Lfunc_end1:
_tile_overlayer_lowered:
.L_overlay_start_2:
0x4d: {  	(tag) =	ssettag $0x2  }
0x4e: {  	s0 =	rddreg [dreg:$0x0];
	s2 =	stileid.u32  }
0x4f: {  	s1 =	rddreg [dreg:$0x1];
	p0 =	sne.s32 s2, $0x0  }
0x50: {  	s3 =	rddreg [dreg:$0x2];
	[bflag:$0x3] =	sbarrier.arrive $0xFFFF;
	s2 =	simm.s32 @!p0 $0x1C01  }
0x51: {  	[timem:s3], [sflag:s2] =	dma.local @!p0 [hbm:s0], s1  }
0x52: {  	s0 =	simm.s32 @!p0 $0x1  }
0x53: {  	_ =	swait.ge @!p0 [sflag:s0], s1  }
0x54: {  	s1 =	ssub.s32 @!p0 $0x0, s1;
	[sflag:s0] =	ssyncset.done @!p0 $0x0  }
0x55: {  	[sflag:s0] =	ssyncadd.s32 @!p0 s1  }
0x56: {  	[bflag:$0x3] =	sbarrier.arrive $0xFFFF  }
0x57: {  	_ =	shalt  }

</sc_bundles>
